<compile_context>
chip_gen: v7x
topology: tpu7x:2x2x1
jax: 0.10.2.dev20260603
libtpu: 0.0.44.dev20260713+nightly
codegen_flags: <defaults>
</compile_context>

<pallas_src>
import functools

import jax
import jax.numpy as jnp
from jax import lax
from jax.experimental import pallas as pl
from jax.experimental.pallas import tpu as pltpu
from jax.experimental.pallas import tpu_sc as plsc


def _lin0_body(x_ref, w_ref, b_ref, o_ref):
    w = w_ref[...]
    b = b_ref[...]
    chunks = []
    for a in range(8):
        xa = x_ref[:, a, :]
        chunks.append(jnp.maximum(
            jnp.dot(xa, w, preferred_element_type=jnp.float32) + b, 0.0))
    o_ref[...] = jnp.concatenate(chunks, axis=1)


def _lin0(x, w, b):
    n, f = x.shape
    d = w.shape[1]
    return pl.pallas_call(
        _lin0_body,
        out_shape=jax.ShapeDtypeStruct((n // 8, 8 * d), jnp.float32),
    )(x.reshape(n // 8, 8, f), w, b.reshape(1, d))


def _sc_gather(table, edge_index):
    e = edge_index.shape[1]
    n, d = table.shape
    nw = 32
    bpw = e // nw
    mesh = plsc.VectorSubcoreMesh(core_axis_name="c", subcore_axis_name="s")

    @functools.partial(
        pl.kernel, mesh=mesh,
        out_type=jax.ShapeDtypeStruct((e, d), jnp.float32),
        compiler_params=pltpu.CompilerParams(use_tc_tiling_on_sc=False),
        scratch_types=[pltpu.VMEM((bpw,), jnp.int32),
                       pltpu.VMEM((bpw, d), jnp.float32),
                       pltpu.SemaphoreType.DMA],
    )
    def k(table_hbm, ei_hbm, out_hbm, idx_v, rows_v, sem):
        wid = lax.axis_index("s") * 2 + lax.axis_index("c")
        base = wid * bpw
        pltpu.sync_copy(ei_hbm.at[0, pl.ds(base, bpw)], idx_v)
        pltpu.async_copy(table_hbm.at[idx_v], rows_v, sem).wait()
        pltpu.sync_copy(rows_v, out_hbm.at[pl.ds(base, bpw)])

    return k(table, edge_index)


def _sc_scatter_add(msg, edge_index, n):
    e, d = msg.shape
    nw, ns = 32, 16
    bpw = e // nw
    nps = n // ns
    mesh = plsc.VectorSubcoreMesh(core_axis_name="c", subcore_axis_name="s")

    @functools.partial(
        pl.kernel, mesh=mesh,
        out_type=jax.ShapeDtypeStruct((2, n, d), jnp.float32),
        compiler_params=pltpu.CompilerParams(use_tc_tiling_on_sc=False),
        scratch_types=[pltpu.VMEM((bpw,), jnp.int32),
                       pltpu.VMEM((bpw, d), jnp.float32),
                       pltpu.VMEM((nps, d), jnp.float32),
                       pltpu.VMEM_SHARED((n, d), jnp.float32),
                       pltpu.SemaphoreType.DMA],
    )
    def k(msg_hbm, ei_hbm, zeros_hbm, out_hbm, idx_v, rows_v, z_v, acc_sh,
          sem):
        cid = lax.axis_index("c")
        sid = lax.axis_index("s")
        wid = sid * 2 + cid
        pltpu.sync_copy(zeros_hbm.at[pl.ds(sid * nps, nps)], z_v)
        pltpu.sync_copy(z_v, acc_sh.at[pl.ds(sid * nps, nps)])
        plsc.subcore_barrier()
        base = wid * bpw
        pltpu.sync_copy(ei_hbm.at[1, pl.ds(base, bpw)], idx_v)
        pltpu.sync_copy(msg_hbm.at[pl.ds(base, bpw)], rows_v)
        pltpu.sync_copy(rows_v, acc_sh.at[idx_v], add=True)
        plsc.subcore_barrier()
        pltpu.sync_copy(acc_sh.at[pl.ds(sid * nps, nps)],
                        out_hbm.at[cid, pl.ds(sid * nps, nps)])

    return k(msg, edge_index, jnp.zeros((n, d), jnp.float32))


def _edge_body(ea_ref, xs_ref, w1_ref, b1_ref, k8_ref, l8_ref, w2_ref,
               bm_ref, o_ref):
    ea8 = ea_ref[...]
    xs8 = xs_ref[...]
    eh8 = jnp.maximum(
        jnp.dot(ea8, w1_ref[...], preferred_element_type=jnp.float32)
        + b1_ref[...], 0.0)
    z8 = (jnp.dot(eh8, k8_ref[...], preferred_element_type=jnp.float32)
          * jnp.dot(xs8, l8_ref[...], preferred_element_type=jnp.float32))
    o_ref[...] = (jnp.dot(z8, w2_ref[...], preferred_element_type=jnp.float32)
                  + jnp.dot(xs8, bm_ref[...],
                            preferred_element_type=jnp.float32))


def _edge(ea8, xs8, bdw1, be1t, k8, l8, w2r8, bdbe2):
    e8 = ea8.shape[0]
    r8 = 1000
    return pl.pallas_call(
        _edge_body,
        grid=(e8 // r8,),
        in_specs=[pl.BlockSpec((r8, 128), lambda i: (i, 0)),
                  pl.BlockSpec((r8, 128), lambda i: (i, 0)),
                  pl.BlockSpec((128, 128), lambda i: (0, 0)),
                  pl.BlockSpec((1, 128), lambda i: (0, 0)),
                  pl.BlockSpec((128, 2048), lambda i: (0, 0)),
                  pl.BlockSpec((128, 2048), lambda i: (0, 0)),
                  pl.BlockSpec((2048, 128), lambda i: (0, 0)),
                  pl.BlockSpec((128, 128), lambda i: (0, 0))],
        out_specs=pl.BlockSpec((r8, 128), lambda i: (i, 0)),
        out_shape=jax.ShapeDtypeStruct((e8, 128), jnp.float32),
    )(ea8, xs8, bdw1, be1t, k8, l8, w2r8, bdbe2)


def _node_body(x0_ref, agg_ref, bt_ref, wroot_ref, bconv_ref, wir_ref,
               wiz_ref, win_ref, whr_ref, whz_ref, whn_ref, bir_ref, biz_ref,
               bin_ref, bhr_ref, bhz_ref, bhn_ref, w11_ref, b11_ref, w12_ref,
               b12_ref, w13_ref, b13_ref, w21_ref, b21_ref, w22_ref, b22_ref,
               w23_ref, b23_ref, o_ref):
    n8 = x0_ref.shape[0]
    x0 = x0_ref[...]
    agg = agg_ref[0] + agg_ref[1]
    xc = jnp.maximum(
        jnp.dot(x0, wroot_ref[...], preferred_element_type=jnp.float32)
        + agg + bconv_ref[...], 0.0)
    gir = jnp.dot(xc, wir_ref[...], preferred_element_type=jnp.float32) \
        + bir_ref[...]
    giz = jnp.dot(xc, wiz_ref[...], preferred_element_type=jnp.float32) \
        + biz_ref[...]
    gin = jnp.dot(xc, win_ref[...], preferred_element_type=jnp.float32) \
        + bin_ref[...]
    ghr = jnp.dot(x0, whr_ref[...], preferred_element_type=jnp.float32) \
        + bhr_ref[...]
    ghz = jnp.dot(x0, whz_ref[...], preferred_element_type=jnp.float32) \
        + bhz_ref[...]
    ghn = jnp.dot(x0, whn_ref[...], preferred_element_type=jnp.float32) \
        + bhn_ref[...]
    r = jax.nn.sigmoid(gir + ghr)
    zg = jax.nn.sigmoid(giz + ghz)
    ng = jnp.tanh(gin + r * ghn)
    hn = (1.0 - zg) * ng + zg * x0
    g_iota = lax.broadcasted_iota(jnp.int32, (256, n8), 0)
    p = jnp.zeros((256, 16), jnp.float32)
    for a in range(8):
        onehot = (g_iota == bt_ref[a:a + 1, :]).astype(jnp.float32)
        p = p + jnp.dot(onehot, hn[:, a * 16:(a + 1) * 16],
                        preferred_element_type=jnp.float32)
    x1 = jnp.maximum(
        jnp.dot(p, w11_ref[...], preferred_element_type=jnp.float32)
        + b11_ref[...], 0.0)
    x1 = jnp.maximum(
        jnp.dot(x1, w12_ref[...], preferred_element_type=jnp.float32)
        + b12_ref[...], 0.0)
    o1 = jnp.dot(x1, w13_ref[...], preferred_element_type=jnp.float32) \
        + b13_ref[...]
    x2 = jnp.maximum(
        jnp.dot(p, w21_ref[...], preferred_element_type=jnp.float32)
        + b21_ref[...], 0.0)
    x2 = jnp.maximum(
        jnp.dot(x2, w22_ref[...], preferred_element_type=jnp.float32)
        + b22_ref[...], 0.0)
    o2 = jnp.dot(x2, w23_ref[...], preferred_element_type=jnp.float32) \
        + b23_ref[...]
    o_ref[...] = jnp.concatenate([o1, o2], axis=1)


def _node(x08, agg28, batch, wroot, bconv, wih, bih, whh, bhh, w11, b11, w12,
          b12, w13, b13, w21, b21, w22, b22, w23, b23):
    n8 = x08.shape[0]
    d = 16
    g = 256
    eye8 = jnp.eye(8, dtype=jnp.float32)
    kr = lambda w: jnp.kron(eye8, w)
    t8 = lambda v: jnp.tile(v, 8).reshape(1, 128)
    bt = batch.reshape(n8, 8).T
    return pl.pallas_call(
        _node_body,
        out_shape=jax.ShapeDtypeStruct((g, 2), jnp.float32),
    )(x08, agg28, bt, kr(wroot), t8(bconv),
      kr(wih[:, 0:d]), kr(wih[:, d:2 * d]), kr(wih[:, 2 * d:3 * d]),
      kr(whh[:, 0:d]), kr(whh[:, d:2 * d]), kr(whh[:, 2 * d:3 * d]),
      t8(bih[0:d]), t8(bih[d:2 * d]), t8(bih[2 * d:3 * d]),
      t8(bhh[0:d]), t8(bhh[d:2 * d]), t8(bhh[2 * d:3 * d]),
      w11, b11.reshape(1, d), w12, b12.reshape(1, d), w13, b13.reshape(1, 1),
      w21, b21.reshape(1, d), w22, b22.reshape(1, d), w23, b23.reshape(1, 1))


def kernel(x, edge_index, edge_attr, batch, W0, b0, We1, be1, We2, be2, Wroot,
           bconv, Wih, bih, Whh, bhh, W11, b11, W12, b12, W13, b13, W21, b21,
           W22, b22, W23, b23):
    n = x.shape[0]
    d = W0.shape[1]
    e = edge_attr.shape[0]
    x08 = _lin0(x, W0, b0)
    x0s = _sc_gather(x08.reshape(n, d), edge_index)

    eye8 = jnp.eye(8, dtype=jnp.float32)
    col = jnp.arange(d * d)[None, :]
    kmat = (jnp.arange(d)[:, None] == col // d).astype(jnp.float32)
    lmat = (jnp.arange(d)[:, None] == col % d).astype(jnp.float32)
    msg8 = _edge(edge_attr.reshape(e // 8, 128), x0s.reshape(e // 8, 128),
                 jnp.kron(eye8, We1), jnp.tile(be1, 8).reshape(1, 128),
                 jnp.kron(eye8, kmat), jnp.kron(eye8, lmat),
                 jnp.kron(eye8, We2.reshape(d * d, d)),
                 jnp.kron(eye8, be2.reshape(d, d)))

    agg2 = _sc_scatter_add(msg8.reshape(e, d), edge_index, n)
    return _node(x08, agg2.reshape(2, n // 8, 128), batch, Wroot, bconv, Wih,
                 bih, Whh, bhh, W11, b11, W12, b12, W13, b13, W21, b21, W22,
                 b22, W23, b23)

# --- scband reference (transcript-rebuilt; emitter-appended) ---
"""Pipeline reference for scband-gnn-cmc-2267742732780 (READ-ONLY COPY).

The authoritative reference and input builder live on the scoring server;
editing this copy changes nothing except your own understanding.
"""

import jax, jax.numpy as jnp
import numpy as np

N = 10000
E = 160000
F_IN = 128
F_E = 16
DIM = 16
G = 256

def _p(k, shape, fan):
    return jax.random.normal(k, shape, dtype=jnp.float32) * (1.0 / np.sqrt(fan))

def setup_inputs(seed: int = 0):
    key = jax.random.key(seed)
    ks = jax.random.split(key, 20)
    inp = {}
    inp["x"] = jax.random.normal(ks[0], (N, F_IN), dtype=jnp.float32)
    inp["edge_index"] = jax.random.randint(ks[1], (2, E), 0, N, dtype=jnp.int32)
    inp["edge_attr"] = jax.random.normal(ks[2], (E, F_E), dtype=jnp.float32)
    inp["batch"] = jnp.sort(jax.random.randint(ks[3], (N,), 0, G, dtype=jnp.int32))
    inp["W0"] = _p(ks[4], (F_IN, DIM), F_IN)
    inp["b0"] = jnp.zeros((DIM,), jnp.float32)
    inp["We1"] = _p(ks[5], (F_E, DIM), F_E)
    inp["be1"] = jnp.zeros((DIM,), jnp.float32)
    inp["We2"] = _p(ks[6], (DIM, DIM * DIM), DIM)
    inp["be2"] = jnp.zeros((DIM * DIM,), jnp.float32)
    inp["Wroot"] = _p(ks[7], (DIM, DIM), DIM)
    inp["bconv"] = jnp.zeros((DIM,), jnp.float32)
    inp["Wih"] = _p(ks[8], (DIM, 3 * DIM), DIM)
    inp["bih"] = jnp.zeros((3 * DIM,), jnp.float32)
    inp["Whh"] = _p(ks[9], (DIM, 3 * DIM), DIM)
    inp["bhh"] = jnp.zeros((3 * DIM,), jnp.float32)
    inp["W11"] = _p(ks[10], (DIM, DIM), DIM)
    inp["b11"] = jnp.zeros((DIM,), jnp.float32)
    inp["W12"] = _p(ks[11], (DIM, DIM), DIM)
    inp["b12"] = jnp.zeros((DIM,), jnp.float32)
    inp["W13"] = _p(ks[12], (DIM, 1), DIM)
    inp["b13"] = jnp.zeros((1,), jnp.float32)
    inp["W21"] = _p(ks[13], (DIM, DIM), DIM)
    inp["b21"] = jnp.zeros((DIM,), jnp.float32)
    inp["W22"] = _p(ks[14], (DIM, DIM), DIM)
    inp["b22"] = jnp.zeros((DIM,), jnp.float32)
    inp["W23"] = _p(ks[15], (DIM, 1), DIM)
    inp["b23"] = jnp.zeros((1,), jnp.float32)
    return inp

def reference(x, edge_index, edge_attr, batch, W0, b0, We1, be1, We2, be2, Wroot, bconv, Wih, bih, Whh, bhh, W11, b11, W12, b12, W13, b13, W21, b21, W22, b22, W23, b23):
    # lin0 + relu
    x0 = jax.nn.relu(x @ W0 + b0)
    h = x0  # initial GRU hidden state
    # NNConv: edge_nn produces a DIMxDIM matrix per edge
    eh = jax.nn.relu(edge_attr @ We1 + be1)
    ew = (eh @ We2 + be2).reshape(-1, DIM, DIM)
    src = edge_index[0]
    dst = edge_index[1]
    msg = jnp.einsum('ei,eio->eo', x0[src], ew)
    agg = jax.ops.segment_sum(msg, dst, num_segments=N)
    xc = jax.nn.relu(x0 @ Wroot + agg + bconv)
    # single-step GRU (seq_len=1), PyTorch gate ordering: r, z, n
    gi = xc @ Wih + bih
    gh = h @ Whh + bhh
    gi_r, gi_z, gi_n = jnp.split(gi, 3, axis=1)
    gh_r, gh_z, gh_n = jnp.split(gh, 3, axis=1)
    r = jax.nn.sigmoid(gi_r + gh_r)
    z = jax.nn.sigmoid(gi_z + gh_z)
    n = jnp.tanh(gi_n + r * gh_n)
    hn = (1.0 - z) * n + z * h
    # scatter_add pooling over graph ids
    pooled = jax.ops.segment_sum(hn, batch, num_segments=G)
    x1 = jax.nn.relu(pooled @ W11 + b11)
    x1 = jax.nn.relu(x1 @ W12 + b12)
    x1 = x1 @ W13 + b13
    x2 = jax.nn.relu(pooled @ W21 + b21)
    x2 = jax.nn.relu(x2 @ W22 + b22)
    x2 = x2 @ W23 + b23
    return jnp.concatenate([x1, x2], axis=1)

if __name__ == "__main__":
    import jax
    _d = setup_inputs()
    print(jax.jit(kernel)(*tuple(_d.values())))

</pallas_src>

<mosaic_0001>
#map = affine_map<(d0, d1) -> (0, 0)>
module attributes {stable_mosaic.version = 14 : i64} {
  func.func @k(%arg0: i32, %arg1: i32, %arg2: memref<10000x16xf32, #tpu.memory_space<hbm>>, %arg3: memref<2x160000xi32, #tpu.memory_space<hbm>>, %arg4: memref<160000x16xf32, #tpu.memory_space<hbm>>, %arg5: memref<5000xi32, #tpu.memory_space<vmem>>, %arg6: memref<5000x16xf32, #tpu.memory_space<vmem>>, %arg7: memref<!tpu.dma_semaphore, #tpu.memory_space<semaphore_mem>>) attributes {dimension_semantics = [#tpu.dimension_semantics<core_parallel>, #tpu.dimension_semantics<subcore_parallel>], iteration_bounds = array<i64: 2, 16>, scalar_prefetch = 0 : i64, scratch_operands = 3 : i64, tpu.core_type = #tpu.core_type<sc_vector_subcore>, window_params = [{transform_indices = #map}, {transform_indices = #map}, {transform_indices = #map}]} {
    %mul3A = arith.constant 2 : i32
    %mul3A_0 = arith.muli %arg1, %mul3A : i32
    %add3A = arith.addi %mul3A_0, %arg0 : i32
    %mul3A_1 = arith.constant 5000 : i32
    %mul3A_2 = arith.muli %add3A, %mul3A_1 : i32
    %run_scoped3A = arith.constant 0 : i32
    "tpu.region"() ({
      %run_scoped3A_7 = tpu.sem_alloc : memref<!tpu.dma_semaphore, #tpu.memory_space<semaphore_mem>>
      %dma_start3A_8 = tpu.memref_slice %arg3[%run_scoped3A, %mul3A_2] : memref<2x160000xi32, #tpu.memory_space<hbm>> -> memref<1x5000xi32, #tpu.memory_space<hbm>>
      %dma_start3A_9 = tpu.memref_squeeze %dma_start3A_8 : memref<1x5000xi32, #tpu.memory_space<hbm>> -> memref<5000xi32, #tpu.memory_space<hbm>>
      %dma_start3A_10 = tpu.memref_slice %arg3[%run_scoped3A, %mul3A_2] : memref<2x160000xi32, #tpu.memory_space<hbm>> -> memref<1x5000xi32, #tpu.memory_space<hbm>>
      %dma_start3A_11 = tpu.memref_squeeze %dma_start3A_10 : memref<1x5000xi32, #tpu.memory_space<hbm>> -> memref<5000xi32, #tpu.memory_space<hbm>>
      tpu.enqueue_dma source(%dma_start3A_11 : memref<5000xi32, #tpu.memory_space<hbm>>) target(%arg5 : memref<5000xi32, #tpu.memory_space<vmem>>) target_semaphore(%run_scoped3A_7 : memref<!tpu.dma_semaphore, #tpu.memory_space<semaphore_mem>>)
      %dma_wait3A_12 = tpu.memref_slice %arg3[%run_scoped3A, %mul3A_2] : memref<2x160000xi32, #tpu.memory_space<hbm>> -> memref<1x5000xi32, #tpu.memory_space<hbm>>
      %dma_wait3A_13 = tpu.memref_squeeze %dma_wait3A_12 : memref<1x5000xi32, #tpu.memory_space<hbm>> -> memref<5000xi32, #tpu.memory_space<hbm>>
      %dma_wait3A_14 = tpu.memref_slice %arg3[%run_scoped3A, %mul3A_2] : memref<2x160000xi32, #tpu.memory_space<hbm>> -> memref<1x5000xi32, #tpu.memory_space<hbm>>
      %dma_wait3A_15 = tpu.memref_squeeze %dma_wait3A_14 : memref<1x5000xi32, #tpu.memory_space<hbm>> -> memref<5000xi32, #tpu.memory_space<hbm>>
      tpu.wait_dma2 semaphore(%run_scoped3A_7 : memref<!tpu.dma_semaphore, #tpu.memory_space<semaphore_mem>>) src(%dma_wait3A_15 : memref<5000xi32, #tpu.memory_space<hbm>>) dst(%arg5 : memref<5000xi32, #tpu.memory_space<vmem>>)
      tpu.yield
    }) : () -> ()
    %dma_start3A = arith.constant 0 : i32
    %dma_start3A_3 = arith.constant 0 : i32
    %dma_start3A_4 = tpu.memref_slice %arg2[%dma_start3A, %dma_start3A_3] : memref<10000x16xf32, #tpu.memory_space<hbm>> -> memref<10000x16xf32, #tpu.memory_space<hbm>>
    tpu.enqueue_indirect_dma source(%dma_start3A_4 : memref<10000x16xf32, #tpu.memory_space<hbm>>) target(%arg6 : memref<5000x16xf32, #tpu.memory_space<vmem>>) offsets(%arg5 : memref<5000xi32, #tpu.memory_space<vmem>>) semaphore(%arg7 : memref<!tpu.dma_semaphore, #tpu.memory_space<semaphore_mem>>)
    %dma_wait3A = arith.constant 0 : i32
    %dma_wait3A_5 = arith.constant 0 : i32
    %dma_wait3A_6 = tpu.memref_slice %arg2[%dma_wait3A, %dma_wait3A_5] : memref<10000x16xf32, #tpu.memory_space<hbm>> -> memref<10000x16xf32, #tpu.memory_space<hbm>>
    tpu.wait_indirect_dma semaphore(%arg7 : memref<!tpu.dma_semaphore, #tpu.memory_space<semaphore_mem>>) src(%dma_wait3A_6 : memref<10000x16xf32, #tpu.memory_space<hbm>>) dst(%arg6 : memref<5000x16xf32, #tpu.memory_space<vmem>>)
    "tpu.region"() ({
      %run_scoped3A_7 = tpu.sem_alloc : memref<!tpu.dma_semaphore, #tpu.memory_space<semaphore_mem>>
      %dma_start3A_8 = arith.constant 0 : i32
      %dma_start3A_9 = tpu.memref_slice %arg4[%mul3A_2, %dma_start3A_8] : memref<160000x16xf32, #tpu.memory_space<hbm>> -> memref<5000x16xf32, #tpu.memory_space<hbm>>
      %dma_start3A_10 = arith.constant 0 : i32
      %dma_start3A_11 = tpu.memref_slice %arg4[%mul3A_2, %dma_start3A_10] : memref<160000x16xf32, #tpu.memory_space<hbm>> -> memref<5000x16xf32, #tpu.memory_space<hbm>>
      tpu.enqueue_dma source(%arg6 : memref<5000x16xf32, #tpu.memory_space<vmem>>) target(%dma_start3A_11 : memref<5000x16xf32, #tpu.memory_space<hbm>>) target_semaphore(%run_scoped3A_7 : memref<!tpu.dma_semaphore, #tpu.memory_space<semaphore_mem>>)
      %dma_wait3A_12 = arith.constant 0 : i32
      %dma_wait3A_13 = tpu.memref_slice %arg4[%mul3A_2, %dma_wait3A_12] : memref<160000x16xf32, #tpu.memory_space<hbm>> -> memref<5000x16xf32, #tpu.memory_space<hbm>>
      %dma_wait3A_14 = arith.constant 0 : i32
      %dma_wait3A_15 = tpu.memref_slice %arg4[%mul3A_2, %dma_wait3A_14] : memref<160000x16xf32, #tpu.memory_space<hbm>> -> memref<5000x16xf32, #tpu.memory_space<hbm>>
      tpu.wait_dma2 semaphore(%run_scoped3A_7 : memref<!tpu.dma_semaphore, #tpu.memory_space<semaphore_mem>>) src(%arg6 : memref<5000x16xf32, #tpu.memory_space<vmem>>) dst(%dma_wait3A_15 : memref<5000x16xf32, #tpu.memory_space<hbm>>)
      tpu.yield
    }) : () -> ()
    return
  }
}

#map = affine_map<(d0, d1) -> (0, 0)>
#map1 = affine_map<(d0, d1) -> (0, 0, 0)>
module attributes {stable_mosaic.version = 14 : i64} {
  func.func @k(%arg0: i32, %arg1: i32, %arg2: memref<160000x16xf32, #tpu.memory_space<hbm>>, %arg3: memref<2x160000xi32, #tpu.memory_space<hbm>>, %arg4: memref<10000x16xf32, #tpu.memory_space<hbm>>, %arg5: memref<2x10000x16xf32, #tpu.memory_space<hbm>>, %arg6: memref<5000xi32, #tpu.memory_space<vmem>>, %arg7: memref<5000x16xf32, #tpu.memory_space<vmem>>, %arg8: memref<625x16xf32, #tpu.memory_space<vmem>>, %arg9: memref<10000x16xf32, #tpu.memory_space<vmem_shared>>, %arg10: memref<!tpu.dma_semaphore, #tpu.memory_space<semaphore_mem>>) attributes {dimension_semantics = [#tpu.dimension_semantics<core_parallel>, #tpu.dimension_semantics<subcore_parallel>], iteration_bounds = array<i64: 2, 16>, scalar_prefetch = 0 : i64, scratch_operands = 5 : i64, tpu.core_type = #tpu.core_type<sc_vector_subcore>, window_params = [{transform_indices = #map}, {transform_indices = #map}, {transform_indices = #map}, {transform_indices = #map1}]} {
    %mul3A = arith.constant 2 : i32
    %mul3A_0 = arith.muli %arg1, %mul3A : i32
    %add3A = arith.addi %mul3A_0, %arg0 : i32
    %mul3A_1 = arith.constant 625 : i32
    %mul3A_2 = arith.muli %arg1, %mul3A_1 : i32
    "tpu.region"() ({
      %run_scoped3A_12 = tpu.sem_alloc : memref<!tpu.dma_semaphore, #tpu.memory_space<semaphore_mem>>
      %dma_start3A = arith.constant 0 : i32
      %dma_start3A_13 = tpu.memref_slice %arg4[%mul3A_2, %dma_start3A] : memref<10000x16xf32, #tpu.memory_space<hbm>> -> memref<625x16xf32, #tpu.memory_space<hbm>>
      %dma_start3A_14 = arith.constant 0 : i32
      %dma_start3A_15 = tpu.memref_slice %arg4[%mul3A_2, %dma_start3A_14] : memref<10000x16xf32, #tpu.memory_space<hbm>> -> memref<625x16xf32, #tpu.memory_space<hbm>>
      tpu.enqueue_dma source(%dma_start3A_15 : memref<625x16xf32, #tpu.memory_space<hbm>>) target(%arg8 : memref<625x16xf32, #tpu.memory_space<vmem>>) target_semaphore(%run_scoped3A_12 : memref<!tpu.dma_semaphore, #tpu.memory_space<semaphore_mem>>)
      %dma_wait3A = arith.constant 0 : i32
      %dma_wait3A_16 = tpu.memref_slice %arg4[%mul3A_2, %dma_wait3A] : memref<10000x16xf32, #tpu.memory_space<hbm>> -> memref<625x16xf32, #tpu.memory_space<hbm>>
      %dma_wait3A_17 = arith.constant 0 : i32
      %dma_wait3A_18 = tpu.memref_slice %arg4[%mul3A_2, %dma_wait3A_17] : memref<10000x16xf32, #tpu.memory_space<hbm>> -> memref<625x16xf32, #tpu.memory_space<hbm>>
      tpu.wait_dma2 semaphore(%run_scoped3A_12 : memref<!tpu.dma_semaphore, #tpu.memory_space<semaphore_mem>>) src(%dma_wait3A_18 : memref<625x16xf32, #tpu.memory_space<hbm>>) dst(%arg8 : memref<625x16xf32, #tpu.memory_space<vmem>>)
      tpu.yield
    }) : () -> ()
    %mul3A_3 = arith.constant 625 : i32
    %mul3A_4 = arith.muli %arg1, %mul3A_3 : i32
    "tpu.region"() ({
      %run_scoped3A_12 = tpu.sem_alloc : memref<!tpu.dma_semaphore, #tpu.memory_space<semaphore_mem>>
      %dma_start3A = arith.constant 0 : i32
      %dma_start3A_13 = tpu.memref_slice %arg9[%mul3A_4, %dma_start3A] : memref<10000x16xf32, #tpu.memory_space<vmem_shared>> -> memref<625x16xf32, #tpu.memory_space<vmem_shared>>
      %dma_start3A_14 = arith.constant 0 : i32
      %dma_start3A_15 = tpu.memref_slice %arg9[%mul3A_4, %dma_start3A_14] : memref<10000x16xf32, #tpu.memory_space<vmem_shared>> -> memref<625x16xf32, #tpu.memory_space<vmem_shared>>
      tpu.enqueue_dma source(%arg8 : memref<625x16xf32, #tpu.memory_space<vmem>>) target(%dma_start3A_15 : memref<625x16xf32, #tpu.memory_space<vmem_shared>>) target_semaphore(%run_scoped3A_12 : memref<!tpu.dma_semaphore, #tpu.memory_space<semaphore_mem>>)
      %dma_wait3A = arith.constant 0 : i32
      %dma_wait3A_16 = tpu.memref_slice %arg9[%mul3A_4, %dma_wait3A] : memref<10000x16xf32, #tpu.memory_space<vmem_shared>> -> memref<625x16xf32, #tpu.memory_space<vmem_shared>>
      %dma_wait3A_17 = arith.constant 0 : i32
      %dma_wait3A_18 = tpu.memref_slice %arg9[%mul3A_4, %dma_wait3A_17] : memref<10000x16xf32, #tpu.memory_space<vmem_shared>> -> memref<625x16xf32, #tpu.memory_space<vmem_shared>>
      tpu.wait_dma2 semaphore(%run_scoped3A_12 : memref<!tpu.dma_semaphore, #tpu.memory_space<semaphore_mem>>) src(%arg8 : memref<625x16xf32, #tpu.memory_space<vmem>>) dst(%dma_wait3A_18 : memref<625x16xf32, #tpu.memory_space<vmem_shared>>)
      tpu.yield
    }) : () -> ()
    %barrier3A = arith.constant 0 : index
    tpu.barrier barrier_id(%barrier3A)
    %mul3A_5 = arith.constant 5000 : i32
    %mul3A_6 = arith.muli %add3A, %mul3A_5 : i32
    %run_scoped3A = arith.constant 1 : i32
    "tpu.region"() ({
      %run_scoped3A_12 = tpu.sem_alloc : memref<!tpu.dma_semaphore, #tpu.memory_space<semaphore_mem>>
      %dma_start3A = tpu.memref_slice %arg3[%run_scoped3A, %mul3A_6] : memref<2x160000xi32, #tpu.memory_space<hbm>> -> memref<1x5000xi32, #tpu.memory_space<hbm>>
      %dma_start3A_13 = tpu.memref_squeeze %dma_start3A : memref<1x5000xi32, #tpu.memory_space<hbm>> -> memref<5000xi32, #tpu.memory_space<hbm>>
      %dma_start3A_14 = tpu.memref_slice %arg3[%run_scoped3A, %mul3A_6] : memref<2x160000xi32, #tpu.memory_space<hbm>> -> memref<1x5000xi32, #tpu.memory_space<hbm>>
      %dma_start3A_15 = tpu.memref_squeeze %dma_start3A_14 : memref<1x5000xi32, #tpu.memory_space<hbm>> -> memref<5000xi32, #tpu.memory_space<hbm>>
      tpu.enqueue_dma source(%dma_start3A_15 : memref<5000xi32, #tpu.memory_space<hbm>>) target(%arg6 : memref<5000xi32, #tpu.memory_space<vmem>>) target_semaphore(%run_scoped3A_12 : memref<!tpu.dma_semaphore, #tpu.memory_space<semaphore_mem>>)
      %dma_wait3A = tpu.memref_slice %arg3[%run_scoped3A, %mul3A_6] : memref<2x160000xi32, #tpu.memory_space<hbm>> -> memref<1x5000xi32, #tpu.memory_space<hbm>>
      %dma_wait3A_16 = tpu.memref_squeeze %dma_wait3A : memref<1x5000xi32, #tpu.memory_space<hbm>> -> memref<5000xi32, #tpu.memory_space<hbm>>
      %dma_wait3A_17 = tpu.memref_slice %arg3[%run_scoped3A, %mul3A_6] : memref<2x160000xi32, #tpu.memory_space<hbm>> -> memref<1x5000xi32, #tpu.memory_space<hbm>>
      %dma_wait3A_18 = tpu.memref_squeeze %dma_wait3A_17 : memref<1x5000xi32, #tpu.memory_space<hbm>> -> memref<5000xi32, #tpu.memory_space<hbm>>
      tpu.wait_dma2 semaphore(%run_scoped3A_12 : memref<!tpu.dma_semaphore, #tpu.memory_space<semaphore_mem>>) src(%dma_wait3A_18 : memref<5000xi32, #tpu.memory_space<hbm>>) dst(%arg6 : memref<5000xi32, #tpu.memory_space<vmem>>)
      tpu.yield
    }) : () -> ()
    "tpu.region"() ({
      %run_scoped3A_12 = tpu.sem_alloc : memref<!tpu.dma_semaphore, #tpu.memory_space<semaphore_mem>>
      %dma_start3A = arith.constant 0 : i32
      %dma_start3A_13 = tpu.memref_slice %arg2[%mul3A_6, %dma_start3A] : memref<160000x16xf32, #tpu.memory_space<hbm>> -> memref<5000x16xf32, #tpu.memory_space<hbm>>
      %dma_start3A_14 = arith.constant 0 : i32
      %dma_start3A_15 = tpu.memref_slice %arg2[%mul3A_6, %dma_start3A_14] : memref<160000x16xf32, #tpu.memory_space<hbm>> -> memref<5000x16xf32, #tpu.memory_space<hbm>>
      tpu.enqueue_dma source(%dma_start3A_15 : memref<5000x16xf32, #tpu.memory_space<hbm>>) target(%arg7 : memref<5000x16xf32, #tpu.memory_space<vmem>>) target_semaphore(%run_scoped3A_12 : memref<!tpu.dma_semaphore, #tpu.memory_space<semaphore_mem>>)
      %dma_wait3A = arith.constant 0 : i32
      %dma_wait3A_16 = tpu.memref_slice %arg2[%mul3A_6, %dma_wait3A] : memref<160000x16xf32, #tpu.memory_space<hbm>> -> memref<5000x16xf32, #tpu.memory_space<hbm>>
      %dma_wait3A_17 = arith.constant 0 : i32
      %dma_wait3A_18 = tpu.memref_slice %arg2[%mul3A_6, %dma_wait3A_17] : memref<160000x16xf32, #tpu.memory_space<hbm>> -> memref<5000x16xf32, #tpu.memory_space<hbm>>
      tpu.wait_dma2 semaphore(%run_scoped3A_12 : memref<!tpu.dma_semaphore, #tpu.memory_space<semaphore_mem>>) src(%dma_wait3A_18 : memref<5000x16xf32, #tpu.memory_space<hbm>>) dst(%arg7 : memref<5000x16xf32, #tpu.memory_space<vmem>>)
      tpu.yield
    }) : () -> ()
    "tpu.region"() ({
      %run_scoped3A_12 = tpu.sem_alloc : memref<!tpu.dma_semaphore, #tpu.memory_space<semaphore_mem>>
      %dma_start3A = arith.constant 0 : i32
      %dma_start3A_13 = arith.constant 0 : i32
      %dma_start3A_14 = tpu.memref_slice %arg9[%dma_start3A, %dma_start3A_13] : memref<10000x16xf32, #tpu.memory_space<vmem_shared>> -> memref<10000x16xf32, #tpu.memory_space<vmem_shared>>
      tpu.enqueue_indirect_dma source(%arg7 : memref<5000x16xf32, #tpu.memory_space<vmem>>) target(%dma_start3A_14 : memref<10000x16xf32, #tpu.memory_space<vmem_shared>>) offsets(%arg6 : memref<5000xi32, #tpu.memory_space<vmem>>) semaphore(%run_scoped3A_12 : memref<!tpu.dma_semaphore, #tpu.memory_space<semaphore_mem>>) {add = true}
      %dma_wait3A = arith.constant 0 : i32
      %dma_wait3A_15 = arith.constant 0 : i32
      %dma_wait3A_16 = tpu.memref_slice %arg9[%dma_wait3A, %dma_wait3A_15] : memref<10000x16xf32, #tpu.memory_space<vmem_shared>> -> memref<10000x16xf32, #tpu.memory_space<vmem_shared>>
      tpu.wait_indirect_dma semaphore(%run_scoped3A_12 : memref<!tpu.dma_semaphore, #tpu.memory_space<semaphore_mem>>) src(%arg7 : memref<5000x16xf32, #tpu.memory_space<vmem>>) dst(%dma_wait3A_16 : memref<10000x16xf32, #tpu.memory_space<vmem_shared>>)
      tpu.yield
    }) : () -> ()
    %barrier3A_7 = arith.constant 0 : index
    tpu.barrier barrier_id(%barrier3A_7)
    %mul3A_8 = arith.constant 625 : i32
    %mul3A_9 = arith.muli %arg1, %mul3A_8 : i32
    %mul3A_10 = arith.constant 625 : i32
    %mul3A_11 = arith.muli %arg1, %mul3A_10 : i32
    "tpu.region"() ({
      %run_scoped3A_12 = tpu.sem_alloc : memref<!tpu.dma_semaphore, #tpu.memory_space<semaphore_mem>>
      %dma_start3A = arith.constant 0 : i32
      %dma_start3A_13 = tpu.memref_slice %arg5[%arg0, %mul3A_11, %dma_start3A] : memref<2x10000x16xf32, #tpu.memory_space<hbm>> -> memref<1x625x16xf32, #tpu.memory_space<hbm>>
      %dma_start3A_14 = tpu.memref_squeeze %dma_start3A_13 : memref<1x625x16xf32, #tpu.memory_space<hbm>> -> memref<625x16xf32, #tpu.memory_space<hbm>>
      %dma_start3A_15 = arith.constant 0 : i32
      %dma_start3A_16 = tpu.memref_slice %arg9[%mul3A_9, %dma_start3A_15] : memref<10000x16xf32, #tpu.memory_space<vmem_shared>> -> memref<625x16xf32, #tpu.memory_space<vmem_shared>>
      tpu.enqueue_dma source(%dma_start3A_16 : memref<625x16xf32, #tpu.memory_space<vmem_shared>>) target(%dma_start3A_14 : memref<625x16xf32, #tpu.memory_space<hbm>>) target_semaphore(%run_scoped3A_12 : memref<!tpu.dma_semaphore, #tpu.memory_space<semaphore_mem>>)
      %dma_wait3A = arith.constant 0 : i32
      %dma_wait3A_17 = tpu.memref_slice %arg5[%arg0, %mul3A_11, %dma_wait3A] : memref<2x10000x16xf32, #tpu.memory_space<hbm>> -> memref<1x625x16xf32, #tpu.memory_space<hbm>>
      %dma_wait3A_18 = tpu.memref_squeeze %dma_wait3A_17 : memref<1x625x16xf32, #tpu.memory_space<hbm>> -> memref<625x16xf32, #tpu.memory_space<hbm>>
      %dma_wait3A_19 = arith.constant 0 : i32
      %dma_wait3A_20 = tpu.memref_slice %arg9[%mul3A_9, %dma_wait3A_19] : memref<10000x16xf32, #tpu.memory_space<vmem_shared>> -> memref<625x16xf32, #tpu.memory_space<vmem_shared>>
      tpu.wait_dma2 semaphore(%run_scoped3A_12 : memref<!tpu.dma_semaphore, #tpu.memory_space<semaphore_mem>>) src(%dma_wait3A_20 : memref<625x16xf32, #tpu.memory_space<vmem_shared>>) dst(%dma_wait3A_18 : memref<625x16xf32, #tpu.memory_space<hbm>>)
      tpu.yield
    }) : () -> ()
    return
  }
}

module attributes {stable_mosaic.version = 14 : i64} {
  func.func @_lin0_body(%arg0: memref<1250x8x128xf32, #tpu.memory_space<vmem>>, %arg1: memref<128x16xf32, #tpu.memory_space<vmem>>, %arg2: memref<1x16xf32, #tpu.memory_space<vmem>>, %arg3: memref<1250x128xf32, #tpu.memory_space<vmem>>) attributes {dimension_semantics = [], scalar_prefetch = 0 : i64, scratch_operands = 0 : i64, tpu.core_type = #tpu.core_type<tc>} {
    %get3A = arith.constant 0 : index
    %get3A_0 = arith.constant 0 : index
    %get3A_1 = vector.load %arg1[%get3A, %get3A_0] : memref<128x16xf32, #tpu.memory_space<vmem>>, vector<128x16xf32>
    %get3A_2 = arith.constant 0 : index
    %get3A_3 = arith.constant 0 : index
    %get3A_4 = vector.load %arg2[%get3A_2, %get3A_3] : memref<1x16xf32, #tpu.memory_space<vmem>>, vector<1x16xf32>
    %get3A_5 = arith.constant 0 : index
    %get3A_6 = arith.constant 0 : index
    %get3A_7 = arith.constant 0 : index
    %get3A_8 = vector.load %arg0[%get3A_5, %get3A_6, %get3A_7] : memref<1250x8x128xf32, #tpu.memory_space<vmem>>, vector<1250x1x128xf32>
    %get3A_9 = vector.shape_cast %get3A_8 : vector<1250x1x128xf32> to vector<1250x128xf32>
    %dot_general3A = arith.constant dense<0.000000e+00> : vector<1250x16xf32>
    %dot_general3A_10 = tpu.matmul %get3A_9, %get3A_1, %dot_general3A {dimension_numbers = #tpu.dot_dimension_numbers<[1], [0], [0], [1], [0, 0, 1, 1], [], []>, transpose_lhs_hint = false} : vector<1250x128xf32>, vector<128x16xf32>, vector<1250x16xf32> -> vector<1250x16xf32>
    %add3A = vector.broadcast %get3A_4 : vector<1x16xf32> to vector<1250x16xf32>
    %add3A_11 = arith.addf %dot_general3A_10, %add3A : vector<1250x16xf32>
    %max3A = arith.constant 0.000000e+00 : f32
    %max3A_12 = vector.broadcast %max3A : f32 to vector<1250x16xf32>
    %max3A_13 = arith.maximumf %add3A_11, %max3A_12 : vector<1250x16xf32>
    %get3A_14 = arith.constant 0 : index
    %get3A_15 = arith.constant 1 : index
    %get3A_16 = arith.constant 0 : index
    %get3A_17 = vector.load %arg0[%get3A_14, %get3A_15, %get3A_16] : memref<1250x8x128xf32, #tpu.memory_space<vmem>>, vector<1250x1x128xf32>
    %get3A_18 = vector.shape_cast %get3A_17 : vector<1250x1x128xf32> to vector<1250x128xf32>
    %dot_general3A_19 = arith.constant dense<0.000000e+00> : vector<1250x16xf32>
    %dot_general3A_20 = tpu.matmul %get3A_18, %get3A_1, %dot_general3A_19 {dimension_numbers = #tpu.dot_dimension_numbers<[1], [0], [0], [1], [0, 0, 1, 1], [], []>, transpose_lhs_hint = false} : vector<1250x128xf32>, vector<128x16xf32>, vector<1250x16xf32> -> vector<1250x16xf32>
    %add3A_21 = vector.broadcast %get3A_4 : vector<1x16xf32> to vector<1250x16xf32>
    %add3A_22 = arith.addf %dot_general3A_20, %add3A_21 : vector<1250x16xf32>
    %max3A_23 = arith.constant 0.000000e+00 : f32
    %max3A_24 = vector.broadcast %max3A_23 : f32 to vector<1250x16xf32>
    %max3A_25 = arith.maximumf %add3A_22, %max3A_24 : vector<1250x16xf32>
    %get3A_26 = arith.constant 0 : index
    %get3A_27 = arith.constant 2 : index
    %get3A_28 = arith.constant 0 : index
    %get3A_29 = vector.load %arg0[%get3A_26, %get3A_27, %get3A_28] : memref<1250x8x128xf32, #tpu.memory_space<vmem>>, vector<1250x1x128xf32>
    %get3A_30 = vector.shape_cast %get3A_29 : vector<1250x1x128xf32> to vector<1250x128xf32>
    %dot_general3A_31 = arith.constant dense<0.000000e+00> : vector<1250x16xf32>
    %dot_general3A_32 = tpu.matmul %get3A_30, %get3A_1, %dot_general3A_31 {dimension_numbers = #tpu.dot_dimension_numbers<[1], [0], [0], [1], [0, 0, 1, 1], [], []>, transpose_lhs_hint = false} : vector<1250x128xf32>, vector<128x16xf32>, vector<1250x16xf32> -> vector<1250x16xf32>
    %add3A_33 = vector.broadcast %get3A_4 : vector<1x16xf32> to vector<1250x16xf32>
    %add3A_34 = arith.addf %dot_general3A_32, %add3A_33 : vector<1250x16xf32>
    %max3A_35 = arith.constant 0.000000e+00 : f32
    %max3A_36 = vector.broadcast %max3A_35 : f32 to vector<1250x16xf32>
    %max3A_37 = arith.maximumf %add3A_34, %max3A_36 : vector<1250x16xf32>
    %get3A_38 = arith.constant 0 : index
    %get3A_39 = arith.constant 3 : index
    %get3A_40 = arith.constant 0 : index
    %get3A_41 = vector.load %arg0[%get3A_38, %get3A_39, %get3A_40] : memref<1250x8x128xf32, #tpu.memory_space<vmem>>, vector<1250x1x128xf32>
    %get3A_42 = vector.shape_cast %get3A_41 : vector<1250x1x128xf32> to vector<1250x128xf32>
    %dot_general3A_43 = arith.constant dense<0.000000e+00> : vector<1250x16xf32>
    %dot_general3A_44 = tpu.matmul %get3A_42, %get3A_1, %dot_general3A_43 {dimension_numbers = #tpu.dot_dimension_numbers<[1], [0], [0], [1], [0, 0, 1, 1], [], []>, transpose_lhs_hint = false} : vector<1250x128xf32>, vector<128x16xf32>, vector<1250x16xf32> -> vector<1250x16xf32>
    %add3A_45 = vector.broadcast %get3A_4 : vector<1x16xf32> to vector<1250x16xf32>
    %add3A_46 = arith.addf %dot_general3A_44, %add3A_45 : vector<1250x16xf32>
    %max3A_47 = arith.constant 0.000000e+00 : f32
    %max3A_48 = vector.broadcast %max3A_47 : f32 to vector<1250x16xf32>
    %max3A_49 = arith.maximumf %add3A_46, %max3A_48 : vector<1250x16xf32>
    %get3A_50 = arith.constant 0 : index
    %get3A_51 = arith.constant 4 : index
    %get3A_52 = arith.constant 0 : index
    %get3A_53 = vector.load %arg0[%get3A_50, %get3A_51, %get3A_52] : memref<1250x8x128xf32, #tpu.memory_space<vmem>>, vector<1250x1x128xf32>
    %get3A_54 = vector.shape_cast %get3A_53 : vector<1250x1x128xf32> to vector<1250x128xf32>
    %dot_general3A_55 = arith.constant dense<0.000000e+00> : vector<1250x16xf32>
    %dot_general3A_56 = tpu.matmul %get3A_54, %get3A_1, %dot_general3A_55 {dimension_numbers = #tpu.dot_dimension_numbers<[1], [0], [0], [1], [0, 0, 1, 1], [], []>, transpose_lhs_hint = false} : vector<1250x128xf32>, vector<128x16xf32>, vector<1250x16xf32> -> vector<1250x16xf32>
    %add3A_57 = vector.broadcast %get3A_4 : vector<1x16xf32> to vector<1250x16xf32>
    %add3A_58 = arith.addf %dot_general3A_56, %add3A_57 : vector<1250x16xf32>
    %max3A_59 = arith.constant 0.000000e+00 : f32
    %max3A_60 = vector.broadcast %max3A_59 : f32 to vector<1250x16xf32>
    %max3A_61 = arith.maximumf %add3A_58, %max3A_60 : vector<1250x16xf32>
    %get3A_62 = arith.constant 0 : index
    %get3A_63 = arith.constant 5 : index
    %get3A_64 = arith.constant 0 : index
    %get3A_65 = vector.load %arg0[%get3A_62, %get3A_63, %get3A_64] : memref<1250x8x128xf32, #tpu.memory_space<vmem>>, vector<1250x1x128xf32>
    %get3A_66 = vector.shape_cast %get3A_65 : vector<1250x1x128xf32> to vector<1250x128xf32>
    %dot_general3A_67 = arith.constant dense<0.000000e+00> : vector<1250x16xf32>
    %dot_general3A_68 = tpu.matmul %get3A_66, %get3A_1, %dot_general3A_67 {dimension_numbers = #tpu.dot_dimension_numbers<[1], [0], [0], [1], [0, 0, 1, 1], [], []>, transpose_lhs_hint = false} : vector<1250x128xf32>, vector<128x16xf32>, vector<1250x16xf32> -> vector<1250x16xf32>
    %add3A_69 = vector.broadcast %get3A_4 : vector<1x16xf32> to vector<1250x16xf32>
    %add3A_70 = arith.addf %dot_general3A_68, %add3A_69 : vector<1250x16xf32>
    %max3A_71 = arith.constant 0.000000e+00 : f32
    %max3A_72 = vector.broadcast %max3A_71 : f32 to vector<1250x16xf32>
    %max3A_73 = arith.maximumf %add3A_70, %max3A_72 : vector<1250x16xf32>
    %get3A_74 = arith.constant 0 : index
    %get3A_75 = arith.constant 6 : index
    %get3A_76 = arith.constant 0 : index
    %get3A_77 = vector.load %arg0[%get3A_74, %get3A_75, %get3A_76] : memref<1250x8x128xf32, #tpu.memory_space<vmem>>, vector<1250x1x128xf32>
    %get3A_78 = vector.shape_cast %get3A_77 : vector<1250x1x128xf32> to vector<1250x128xf32>
    %dot_general3A_79 = arith.constant dense<0.000000e+00> : vector<1250x16xf32>
    %dot_general3A_80 = tpu.matmul %get3A_78, %get3A_1, %dot_general3A_79 {dimension_numbers = #tpu.dot_dimension_numbers<[1], [0], [0], [1], [0, 0, 1, 1], [], []>, transpose_lhs_hint = false} : vector<1250x128xf32>, vector<128x16xf32>, vector<1250x16xf32> -> vector<1250x16xf32>
    %add3A_81 = vector.broadcast %get3A_4 : vector<1x16xf32> to vector<1250x16xf32>
    %add3A_82 = arith.addf %dot_general3A_80, %add3A_81 : vector<1250x16xf32>
    %max3A_83 = arith.constant 0.000000e+00 : f32
    %max3A_84 = vector.broadcast %max3A_83 : f32 to vector<1250x16xf32>
    %max3A_85 = arith.maximumf %add3A_82, %max3A_84 : vector<1250x16xf32>
    %get3A_86 = arith.constant 0 : index
    %get3A_87 = arith.constant 7 : index
    %get3A_88 = arith.constant 0 : index
    %get3A_89 = vector.load %arg0[%get3A_86, %get3A_87, %get3A_88] : memref<1250x8x128xf32, #tpu.memory_space<vmem>>, vector<1250x1x128xf32>
    %get3A_90 = vector.shape_cast %get3A_89 : vector<1250x1x128xf32> to vector<1250x128xf32>
    %dot_general3A_91 = arith.constant dense<0.000000e+00> : vector<1250x16xf32>
    %dot_general3A_92 = tpu.matmul %get3A_90, %get3A_1, %dot_general3A_91 {dimension_numbers = #tpu.dot_dimension_numbers<[1], [0], [0], [1], [0, 0, 1, 1], [], []>, transpose_lhs_hint = false} : vector<1250x128xf32>, vector<128x16xf32>, vector<1250x16xf32> -> vector<1250x16xf32>
    %add3A_93 = vector.broadcast %get3A_4 : vector<1x16xf32> to vector<1250x16xf32>
    %add3A_94 = arith.addf %dot_general3A_92, %add3A_93 : vector<1250x16xf32>
    %max3A_95 = arith.constant 0.000000e+00 : f32
    %max3A_96 = vector.broadcast %max3A_95 : f32 to vector<1250x16xf32>
    %max3A_97 = arith.maximumf %add3A_94, %max3A_96 : vector<1250x16xf32>
    %concatenate3A = tpu.concatenate %max3A_13, %max3A_25, %max3A_37, %max3A_49, %max3A_61, %max3A_73, %max3A_85, %max3A_97 in 1 : vector<1250x16xf32>, vector<1250x16xf32>, vector<1250x16xf32>, vector<1250x16xf32>, vector<1250x16xf32>, vector<1250x16xf32>, vector<1250x16xf32>, vector<1250x16xf32> -> vector<1250x128xf32>
    %swap3A = arith.constant 0 : index
    %swap3A_98 = arith.constant 0 : index
    %swap3A_99 = vector.load %arg3[%swap3A, %swap3A_98] : memref<1250x128xf32, #tpu.memory_space<vmem>>, vector<1250x128xf32>
    tpu.vector_store %arg3[%swap3A, %swap3A_98], %concatenate3A {strides = array<i32>} : memref<1250x128xf32, #tpu.memory_space<vmem>>, vector<1250x128xf32>,
    return
  }
}

module attributes {stable_mosaic.version = 14 : i64} {
  func.func @_edge_body(%arg0: i32, %arg1: memref<1000x128xf32, #tpu.memory_space<vmem>>, %arg2: memref<1000x128xf32, #tpu.memory_space<vmem>>, %arg3: memref<128x128xf32, #tpu.memory_space<vmem>>, %arg4: memref<1x128xf32, #tpu.memory_space<vmem>>, %arg5: memref<128x2048xf32, #tpu.memory_space<vmem>>, %arg6: memref<128x2048xf32, #tpu.memory_space<vmem>>, %arg7: memref<2048x128xf32, #tpu.memory_space<vmem>>, %arg8: memref<128x128xf32, #tpu.memory_space<vmem>>, %arg9: memref<1000x128xf32, #tpu.memory_space<vmem>>) attributes {dimension_semantics = [#tpu.dimension_semantics<arbitrary>], iteration_bounds = array<i64: 20>, scalar_prefetch = 0 : i64, scratch_operands = 0 : i64, tpu.core_type = #tpu.core_type<tc>, window_params = [{transform_indices = @transform_0, window_bounds = array<i64: 1000, 128>}, {transform_indices = @transform_1, window_bounds = array<i64: 1000, 128>}, {pipeline_mode = #tpu.pipeline_mode<synchronous>, transform_indices = @transform_2, window_bounds = array<i64: 128, 128>}, {pipeline_mode = #tpu.pipeline_mode<synchronous>, transform_indices = @transform_3, window_bounds = array<i64: 1, 128>}, {pipeline_mode = #tpu.pipeline_mode<synchronous>, transform_indices = @transform_4, window_bounds = array<i64: 128, 2048>}, {pipeline_mode = #tpu.pipeline_mode<synchronous>, transform_indices = @transform_5, window_bounds = array<i64: 128, 2048>}, {pipeline_mode = #tpu.pipeline_mode<synchronous>, transform_indices = @transform_6, window_bounds = array<i64: 2048, 128>}, {pipeline_mode = #tpu.pipeline_mode<synchronous>, transform_indices = @transform_7, window_bounds = array<i64: 128, 128>}, {transform_indices = @transform_8, window_bounds = array<i64: 1000, 128>}]} {
    %get3A = arith.constant 0 : index
    %get3A_0 = arith.constant 0 : index
    %get3A_1 = vector.load %arg1[%get3A, %get3A_0] : memref<1000x128xf32, #tpu.memory_space<vmem>>, vector<1000x128xf32>
    %get3A_2 = arith.constant 0 : index
    %get3A_3 = arith.constant 0 : index
    %get3A_4 = vector.load %arg2[%get3A_2, %get3A_3] : memref<1000x128xf32, #tpu.memory_space<vmem>>, vector<1000x128xf32>
    %get3A_5 = arith.constant 0 : index
    %get3A_6 = arith.constant 0 : index
    %get3A_7 = vector.load %arg3[%get3A_5, %get3A_6] : memref<128x128xf32, #tpu.memory_space<vmem>>, vector<128x128xf32>
    %dot_general3A = arith.constant dense<0.000000e+00> : vector<1000x128xf32>
    %dot_general3A_8 = tpu.matmul %get3A_1, %get3A_7, %dot_general3A {dimension_numbers = #tpu.dot_dimension_numbers<[1], [0], [0], [1], [0, 0, 1, 1], [], []>, transpose_lhs_hint = false} : vector<1000x128xf32>, vector<128x128xf32>, vector<1000x128xf32> -> vector<1000x128xf32>
    %get3A_9 = arith.constant 0 : index
    %get3A_10 = arith.constant 0 : index
    %get3A_11 = vector.load %arg4[%get3A_9, %get3A_10] : memref<1x128xf32, #tpu.memory_space<vmem>>, vector<1x128xf32>
    %add3A = vector.broadcast %get3A_11 : vector<1x128xf32> to vector<1000x128xf32>
    %add3A_12 = arith.addf %dot_general3A_8, %add3A : vector<1000x128xf32>
    %max3A = arith.constant 0.000000e+00 : f32
    %max3A_13 = vector.broadcast %max3A : f32 to vector<1000x128xf32>
    %max3A_14 = arith.maximumf %add3A_12, %max3A_13 : vector<1000x128xf32>
    %get3A_15 = arith.constant 0 : index
    %get3A_16 = arith.constant 0 : index
    %get3A_17 = vector.load %arg5[%get3A_15, %get3A_16] : memref<128x2048xf32, #tpu.memory_space<vmem>>, vector<128x2048xf32>
    %dot_general3A_18 = arith.constant dense<0.000000e+00> : vector<1000x2048xf32>
    %dot_general3A_19 = tpu.matmul %max3A_14, %get3A_17, %dot_general3A_18 {dimension_numbers = #tpu.dot_dimension_numbers<[1], [0], [0], [1], [0, 0, 1, 1], [], []>, transpose_lhs_hint = false} : vector<1000x128xf32>, vector<128x2048xf32>, vector<1000x2048xf32> -> vector<1000x2048xf32>
    %get3A_20 = arith.constant 0 : index
    %get3A_21 = arith.constant 0 : index
    %get3A_22 = vector.load %arg6[%get3A_20, %get3A_21] : memref<128x2048xf32, #tpu.memory_space<vmem>>, vector<128x2048xf32>
    %dot_general3A_23 = arith.constant dense<0.000000e+00> : vector<1000x2048xf32>
    %dot_general3A_24 = tpu.matmul %get3A_4, %get3A_22, %dot_general3A_23 {dimension_numbers = #tpu.dot_dimension_numbers<[1], [0], [0], [1], [0, 0, 1, 1], [], []>, transpose_lhs_hint = false} : vector<1000x128xf32>, vector<128x2048xf32>, vector<1000x2048xf32> -> vector<1000x2048xf32>
    %mul3A = arith.mulf %dot_general3A_19, %dot_general3A_24 : vector<1000x2048xf32>
    %get3A_25 = arith.constant 0 : index
    %get3A_26 = arith.constant 0 : index
    %get3A_27 = vector.load %arg7[%get3A_25, %get3A_26] : memref<2048x128xf32, #tpu.memory_space<vmem>>, vector<2048x128xf32>
    %dot_general3A_28 = arith.constant dense<0.000000e+00> : vector<1000x128xf32>
    %dot_general3A_29 = tpu.matmul %mul3A, %get3A_27, %dot_general3A_28 {dimension_numbers = #tpu.dot_dimension_numbers<[1], [0], [0], [1], [0, 0, 1, 1], [], []>, transpose_lhs_hint = false} : vector<1000x2048xf32>, vector<2048x128xf32>, vector<1000x128xf32> -> vector<1000x128xf32>
    %get3A_30 = arith.constant 0 : index
    %get3A_31 = arith.constant 0 : index
    %get3A_32 = vector.load %arg8[%get3A_30, %get3A_31] : memref<128x128xf32, #tpu.memory_space<vmem>>, vector<128x128xf32>
    %dot_general3A_33 = arith.constant dense<0.000000e+00> : vector<1000x128xf32>
    %dot_general3A_34 = tpu.matmul %get3A_4, %get3A_32, %dot_general3A_33 {dimension_numbers = #tpu.dot_dimension_numbers<[1], [0], [0], [1], [0, 0, 1, 1], [], []>, transpose_lhs_hint = false} : vector<1000x128xf32>, vector<128x128xf32>, vector<1000x128xf32> -> vector<1000x128xf32>
    %add3A_35 = arith.addf %dot_general3A_29, %dot_general3A_34 : vector<1000x128xf32>
    %swap3A = arith.constant 0 : index
    %swap3A_36 = arith.constant 0 : index
    %swap3A_37 = vector.load %arg9[%swap3A, %swap3A_36] : memref<1000x128xf32, #tpu.memory_space<vmem>>, vector<1000x128xf32>
    tpu.vector_store %arg9[%swap3A, %swap3A_36], %add3A_35 {strides = array<i32>} : memref<1000x128xf32, #tpu.memory_space<vmem>>, vector<1000x128xf32>,
    return
  }
  func.func @transform_0(%arg0: i32) -> (i32, i32) {
    %c0_i32 = arith.constant 0 : i32
    %c0_i32_0 = arith.constant 0 : i32
    return %arg0, %c0_i32 : i32, i32
  }
  func.func @transform_1(%arg0: i32) -> (i32, i32) {
    %c0_i32 = arith.constant 0 : i32
    %c0_i32_0 = arith.constant 0 : i32
    return %arg0, %c0_i32 : i32, i32
  }
  func.func @transform_2(%arg0: i32) -> (i32, i32) {
    %c0_i32 = arith.constant 0 : i32
    %c0_i32_0 = arith.constant 0 : i32
    %c0_i32_1 = arith.constant 0 : i32
    return %c0_i32, %c0_i32_0 : i32, i32
  }
  func.func @transform_3(%arg0: i32) -> (i32, i32) {
    %c0_i32 = arith.constant 0 : i32
    %c0_i32_0 = arith.constant 0 : i32
    %c0_i32_1 = arith.constant 0 : i32
    return %c0_i32, %c0_i32_0 : i32, i32
  }
  func.func @transform_4(%arg0: i32) -> (i32, i32) {
    %c0_i32 = arith.constant 0 : i32
    %c0_i32_0 = arith.constant 0 : i32
    %c0_i32_1 = arith.constant 0 : i32
    return %c0_i32, %c0_i32_0 : i32, i32
  }
  func.func @transform_5(%arg0: i32) -> (i32, i32) {
    %c0_i32 = arith.constant 0 : i32
    %c0_i32_0 = arith.constant 0 : i32
    %c0_i32_1 = arith.constant 0 : i32
    return %c0_i32, %c0_i32_0 : i32, i32
  }
  func.func @transform_6(%arg0: i32) -> (i32, i32) {
    %c0_i32 = arith.constant 0 : i32
    %c0_i32_0 = arith.constant 0 : i32
    %c0_i32_1 = arith.constant 0 : i32
    return %c0_i32, %c0_i32_0 : i32, i32
  }
  func.func @transform_7(%arg0: i32) -> (i32, i32) {
    %c0_i32 = arith.constant 0 : i32
    %c0_i32_0 = arith.constant 0 : i32
    %c0_i32_1 = arith.constant 0 : i32
    return %c0_i32, %c0_i32_0 : i32, i32
  }
  func.func @transform_8(%arg0: i32) -> (i32, i32) {
    %c0_i32 = arith.constant 0 : i32
    %c0_i32_0 = arith.constant 0 : i32
    return %arg0, %c0_i32 : i32, i32
  }
}

module attributes {stable_mosaic.version = 14 : i64} {
  func.func @_node_body(%arg0: memref<1250x128xf32, #tpu.memory_space<vmem>>, %arg1: memref<2x1250x128xf32, #tpu.memory_space<vmem>>, %arg2: memref<8x1250xi32, #tpu.memory_space<vmem>>, %arg3: memref<128x128xf32, #tpu.memory_space<vmem>>, %arg4: memref<1x128xf32, #tpu.memory_space<vmem>>, %arg5: memref<128x128xf32, #tpu.memory_space<vmem>>, %arg6: memref<128x128xf32, #tpu.memory_space<vmem>>, %arg7: memref<128x128xf32, #tpu.memory_space<vmem>>, %arg8: memref<128x128xf32, #tpu.memory_space<vmem>>, %arg9: memref<128x128xf32, #tpu.memory_space<vmem>>, %arg10: memref<128x128xf32, #tpu.memory_space<vmem>>, %arg11: memref<1x128xf32, #tpu.memory_space<vmem>>, %arg12: memref<1x128xf32, #tpu.memory_space<vmem>>, %arg13: memref<1x128xf32, #tpu.memory_space<vmem>>, %arg14: memref<1x128xf32, #tpu.memory_space<vmem>>, %arg15: memref<1x128xf32, #tpu.memory_space<vmem>>, %arg16: memref<1x128xf32, #tpu.memory_space<vmem>>, %arg17: memref<16x16xf32, #tpu.memory_space<vmem>>, %arg18: memref<1x16xf32, #tpu.memory_space<vmem>>, %arg19: memref<16x16xf32, #tpu.memory_space<vmem>>, %arg20: memref<1x16xf32, #tpu.memory_space<vmem>>, %arg21: memref<16x1xf32, #tpu.memory_space<vmem>>, %arg22: memref<1x1xf32, #tpu.memory_space<vmem>>, %arg23: memref<16x16xf32, #tpu.memory_space<vmem>>, %arg24: memref<1x16xf32, #tpu.memory_space<vmem>>, %arg25: memref<16x16xf32, #tpu.memory_space<vmem>>, %arg26: memref<1x16xf32, #tpu.memory_space<vmem>>, %arg27: memref<16x1xf32, #tpu.memory_space<vmem>>, %arg28: memref<1x1xf32, #tpu.memory_space<vmem>>, %arg29: memref<256x2xf32, #tpu.memory_space<vmem>>) attributes {dimension_semantics = [], scalar_prefetch = 0 : i64, scratch_operands = 0 : i64, tpu.core_type = #tpu.core_type<tc>} {
    %get3A = arith.constant 0 : index
    %get3A_0 = arith.constant 0 : index
    %get3A_1 = vector.load %arg0[%get3A, %get3A_0] : memref<1250x128xf32, #tpu.memory_space<vmem>>, vector<1250x128xf32>
    %get3A_2 = arith.constant 0 : index
    %get3A_3 = arith.constant 0 : index
    %get3A_4 = arith.constant 0 : index
    %get3A_5 = vector.load %arg1[%get3A_2, %get3A_3, %get3A_4] : memref<2x1250x128xf32, #tpu.memory_space<vmem>>, vector<1x1250x128xf32>
    %get3A_6 = vector.shape_cast %get3A_5 : vector<1x1250x128xf32> to vector<1250x128xf32>
    %get3A_7 = arith.constant 1 : index
    %get3A_8 = arith.constant 0 : index
    %get3A_9 = arith.constant 0 : index
    %get3A_10 = vector.load %arg1[%get3A_7, %get3A_8, %get3A_9] : memref<2x1250x128xf32, #tpu.memory_space<vmem>>, vector<1x1250x128xf32>
    %get3A_11 = vector.shape_cast %get3A_10 : vector<1x1250x128xf32> to vector<1250x128xf32>
    %add3A = arith.addf %get3A_6, %get3A_11 : vector<1250x128xf32>
    %get3A_12 = arith.constant 0 : index
    %get3A_13 = arith.constant 0 : index
    %get3A_14 = vector.load %arg3[%get3A_12, %get3A_13] : memref<128x128xf32, #tpu.memory_space<vmem>>, vector<128x128xf32>
    %dot_general3A = arith.constant dense<0.000000e+00> : vector<1250x128xf32>
    %dot_general3A_15 = tpu.matmul %get3A_1, %get3A_14, %dot_general3A {dimension_numbers = #tpu.dot_dimension_numbers<[1], [0], [0], [1], [0, 0, 1, 1], [], []>, transpose_lhs_hint = false} : vector<1250x128xf32>, vector<128x128xf32>, vector<1250x128xf32> -> vector<1250x128xf32>
    %add3A_16 = arith.addf %dot_general3A_15, %add3A : vector<1250x128xf32>
    %get3A_17 = arith.constant 0 : index
    %get3A_18 = arith.constant 0 : index
    %get3A_19 = vector.load %arg4[%get3A_17, %get3A_18] : memref<1x128xf32, #tpu.memory_space<vmem>>, vector<1x128xf32>
    %add3A_20 = vector.broadcast %get3A_19 : vector<1x128xf32> to vector<1250x128xf32>
    %add3A_21 = arith.addf %add3A_16, %add3A_20 : vector<1250x128xf32>
    %max3A = arith.constant 0.000000e+00 : f32
    %max3A_22 = vector.broadcast %max3A : f32 to vector<1250x128xf32>
    %max3A_23 = arith.maximumf %add3A_21, %max3A_22 : vector<1250x128xf32>
    %get3A_24 = arith.constant 0 : index
    %get3A_25 = arith.constant 0 : index
    %get3A_26 = vector.load %arg5[%get3A_24, %get3A_25] : memref<128x128xf32, #tpu.memory_space<vmem>>, vector<128x128xf32>
    %dot_general3A_27 = arith.constant dense<0.000000e+00> : vector<1250x128xf32>
    %dot_general3A_28 = tpu.matmul %max3A_23, %get3A_26, %dot_general3A_27 {dimension_numbers = #tpu.dot_dimension_numbers<[1], [0], [0], [1], [0, 0, 1, 1], [], []>, transpose_lhs_hint = false} : vector<1250x128xf32>, vector<128x128xf32>, vector<1250x128xf32> -> vector<1250x128xf32>
    %get3A_29 = arith.constant 0 : index
    %get3A_30 = arith.constant 0 : index
    %get3A_31 = vector.load %arg11[%get3A_29, %get3A_30] : memref<1x128xf32, #tpu.memory_space<vmem>>, vector<1x128xf32>
    %add3A_32 = vector.broadcast %get3A_31 : vector<1x128xf32> to vector<1250x128xf32>
    %add3A_33 = arith.addf %dot_general3A_28, %add3A_32 : vector<1250x128xf32>
    %get3A_34 = arith.constant 0 : index
    %get3A_35 = arith.constant 0 : index
    %get3A_36 = vector.load %arg6[%get3A_34, %get3A_35] : memref<128x128xf32, #tpu.memory_space<vmem>>, vector<128x128xf32>
    %dot_general3A_37 = arith.constant dense<0.000000e+00> : vector<1250x128xf32>
    %dot_general3A_38 = tpu.matmul %max3A_23, %get3A_36, %dot_general3A_37 {dimension_numbers = #tpu.dot_dimension_numbers<[1], [0], [0], [1], [0, 0, 1, 1], [], []>, transpose_lhs_hint = false} : vector<1250x128xf32>, vector<128x128xf32>, vector<1250x128xf32> -> vector<1250x128xf32>
    %get3A_39 = arith.constant 0 : index
    %get3A_40 = arith.constant 0 : index
    %get3A_41 = vector.load %arg12[%get3A_39, %get3A_40] : memref<1x128xf32, #tpu.memory_space<vmem>>, vector<1x128xf32>
    %add3A_42 = vector.broadcast %get3A_41 : vector<1x128xf32> to vector<1250x128xf32>
    %add3A_43 = arith.addf %dot_general3A_38, %add3A_42 : vector<1250x128xf32>
    %get3A_44 = arith.constant 0 : index
    %get3A_45 = arith.constant 0 : index
    %get3A_46 = vector.load %arg7[%get3A_44, %get3A_45] : memref<128x128xf32, #tpu.memory_space<vmem>>, vector<128x128xf32>
    %dot_general3A_47 = arith.constant dense<0.000000e+00> : vector<1250x128xf32>
    %dot_general3A_48 = tpu.matmul %max3A_23, %get3A_46, %dot_general3A_47 {dimension_numbers = #tpu.dot_dimension_numbers<[1], [0], [0], [1], [0, 0, 1, 1], [], []>, transpose_lhs_hint = false} : vector<1250x128xf32>, vector<128x128xf32>, vector<1250x128xf32> -> vector<1250x128xf32>
    %get3A_49 = arith.constant 0 : index
    %get3A_50 = arith.constant 0 : index
    %get3A_51 = vector.load %arg13[%get3A_49, %get3A_50] : memref<1x128xf32, #tpu.memory_space<vmem>>, vector<1x128xf32>
    %add3A_52 = vector.broadcast %get3A_51 : vector<1x128xf32> to vector<1250x128xf32>
    %add3A_53 = arith.addf %dot_general3A_48, %add3A_52 : vector<1250x128xf32>
    %get3A_54 = arith.constant 0 : index
    %get3A_55 = arith.constant 0 : index
    %get3A_56 = vector.load %arg8[%get3A_54, %get3A_55] : memref<128x128xf32, #tpu.memory_space<vmem>>, vector<128x128xf32>
    %dot_general3A_57 = arith.constant dense<0.000000e+00> : vector<1250x128xf32>
    %dot_general3A_58 = tpu.matmul %get3A_1, %get3A_56, %dot_general3A_57 {dimension_numbers = #tpu.dot_dimension_numbers<[1], [0], [0], [1], [0, 0, 1, 1], [], []>, transpose_lhs_hint = false} : vector<1250x128xf32>, vector<128x128xf32>, vector<1250x128xf32> -> vector<1250x128xf32>
    %get3A_59 = arith.constant 0 : index
    %get3A_60 = arith.constant 0 : index
    %get3A_61 = vector.load %arg14[%get3A_59, %get3A_60] : memref<1x128xf32, #tpu.memory_space<vmem>>, vector<1x128xf32>
    %add3A_62 = vector.broadcast %get3A_61 : vector<1x128xf32> to vector<1250x128xf32>
    %add3A_63 = arith.addf %dot_general3A_58, %add3A_62 : vector<1250x128xf32>
    %get3A_64 = arith.constant 0 : index
    %get3A_65 = arith.constant 0 : index
    %get3A_66 = vector.load %arg9[%get3A_64, %get3A_65] : memref<128x128xf32, #tpu.memory_space<vmem>>, vector<128x128xf32>
    %dot_general3A_67 = arith.constant dense<0.000000e+00> : vector<1250x128xf32>
    %dot_general3A_68 = tpu.matmul %get3A_1, %get3A_66, %dot_general3A_67 {dimension_numbers = #tpu.dot_dimension_numbers<[1], [0], [0], [1], [0, 0, 1, 1], [], []>, transpose_lhs_hint = false} : vector<1250x128xf32>, vector<128x128xf32>, vector<1250x128xf32> -> vector<1250x128xf32>
    %get3A_69 = arith.constant 0 : index
    %get3A_70 = arith.constant 0 : index
    %get3A_71 = vector.load %arg15[%get3A_69, %get3A_70] : memref<1x128xf32, #tpu.memory_space<vmem>>, vector<1x128xf32>
    %add3A_72 = vector.broadcast %get3A_71 : vector<1x128xf32> to vector<1250x128xf32>
    %add3A_73 = arith.addf %dot_general3A_68, %add3A_72 : vector<1250x128xf32>
    %get3A_74 = arith.constant 0 : index
    %get3A_75 = arith.constant 0 : index
    %get3A_76 = vector.load %arg10[%get3A_74, %get3A_75] : memref<128x128xf32, #tpu.memory_space<vmem>>, vector<128x128xf32>
    %dot_general3A_77 = arith.constant dense<0.000000e+00> : vector<1250x128xf32>
    %dot_general3A_78 = tpu.matmul %get3A_1, %get3A_76, %dot_general3A_77 {dimension_numbers = #tpu.dot_dimension_numbers<[1], [0], [0], [1], [0, 0, 1, 1], [], []>, transpose_lhs_hint = false} : vector<1250x128xf32>, vector<128x128xf32>, vector<1250x128xf32> -> vector<1250x128xf32>
    %get3A_79 = arith.constant 0 : index
    %get3A_80 = arith.constant 0 : index
    %get3A_81 = vector.load %arg16[%get3A_79, %get3A_80] : memref<1x128xf32, #tpu.memory_space<vmem>>, vector<1x128xf32>
    %add3A_82 = vector.broadcast %get3A_81 : vector<1x128xf32> to vector<1250x128xf32>
    %add3A_83 = arith.addf %dot_general3A_78, %add3A_82 : vector<1250x128xf32>
    %add3A_84 = arith.addf %add3A_33, %add3A_63 : vector<1250x128xf32>
    %logistic3A = arith.negf %add3A_84 : vector<1250x128xf32>
    %logistic3A_85 = math.exp %logistic3A : vector<1250x128xf32>
    %logistic3A_86 = arith.constant 1.000000e+00 : f32
    %logistic3A_87 = vector.broadcast %logistic3A_86 : f32 to vector<1250x128xf32>
    %logistic3A_88 = arith.addf %logistic3A_87, %logistic3A_85 : vector<1250x128xf32>
    %logistic3A_89 = arith.divf %logistic3A_87, %logistic3A_88 : vector<1250x128xf32>
    %add3A_90 = arith.addf %add3A_43, %add3A_73 : vector<1250x128xf32>
    %logistic3A_91 = arith.negf %add3A_90 : vector<1250x128xf32>
    %logistic3A_92 = math.exp %logistic3A_91 : vector<1250x128xf32>
    %logistic3A_93 = arith.constant 1.000000e+00 : f32
    %logistic3A_94 = vector.broadcast %logistic3A_93 : f32 to vector<1250x128xf32>
    %logistic3A_95 = arith.addf %logistic3A_94, %logistic3A_92 : vector<1250x128xf32>
    %logistic3A_96 = arith.divf %logistic3A_94, %logistic3A_95 : vector<1250x128xf32>
    %mul3A = arith.mulf %logistic3A_89, %add3A_83 : vector<1250x128xf32>
    %add3A_97 = arith.addf %add3A_53, %mul3A : vector<1250x128xf32>
    %tanh3A = math.tanh %add3A_97 : vector<1250x128xf32>
    %sub3A = arith.constant 1.000000e+00 : f32
    %sub3A_98 = vector.broadcast %sub3A : f32 to vector<1250x128xf32>
    %sub3A_99 = arith.subf %sub3A_98, %logistic3A_96 : vector<1250x128xf32>
    %mul3A_100 = arith.mulf %sub3A_99, %tanh3A : vector<1250x128xf32>
    %mul3A_101 = arith.mulf %logistic3A_96, %get3A_1 : vector<1250x128xf32>
    %add3A_102 = arith.addf %mul3A_100, %mul3A_101 : vector<1250x128xf32>
    %iota3A = tpu.iota {dimensions = array<i32: 0>} : vector<256x1250xi32>
    %broadcast_in_dim3A = arith.constant 0.000000e+00 : f32
    %broadcast_in_dim3A_103 = vector.broadcast %broadcast_in_dim3A : f32 to vector<256x16xf32>
    %get3A_104 = arith.constant 0 : index
    %get3A_105 = arith.constant 0 : index
    %get3A_106 = vector.load %arg2[%get3A_104, %get3A_105] : memref<8x1250xi32, #tpu.memory_space<vmem>>, vector<1x1250xi32>
    %eq3A = vector.broadcast %get3A_106 : vector<1x1250xi32> to vector<256x1250xi32>
    %eq3A_107 = arith.cmpi eq, %iota3A, %eq3A : vector<256x1250xi32>
    %convert_element_type3A = arith.extui %eq3A_107 : vector<256x1250xi1> to vector<256x1250xi32>
    %convert_element_type3A_108 = arith.sitofp %convert_element_type3A : vector<256x1250xi32> to vector<256x1250xf32>
    %slice3A = vector.extract_strided_slice %add3A_102 {offsets = [0, 0], sizes = [1250, 16], strides = [1, 1]} : vector<1250x128xf32> to vector<1250x16xf32>
    %dot_general3A_109 = arith.constant dense<0.000000e+00> : vector<256x16xf32>
    %dot_general3A_110 = tpu.matmul %convert_element_type3A_108, %slice3A, %dot_general3A_109 {dimension_numbers = #tpu.dot_dimension_numbers<[1], [0], [0], [1], [0, 0, 1, 1], [], []>, transpose_lhs_hint = false} : vector<256x1250xf32>, vector<1250x16xf32>, vector<256x16xf32> -> vector<256x16xf32>
    %add3A_111 = arith.addf %broadcast_in_dim3A_103, %dot_general3A_110 : vector<256x16xf32>
    %get3A_112 = arith.constant 1 : index
    %get3A_113 = arith.constant 0 : index
    %get3A_114 = vector.load %arg2[%get3A_112, %get3A_113] : memref<8x1250xi32, #tpu.memory_space<vmem>>, vector<1x1250xi32>
    %eq3A_115 = vector.broadcast %get3A_114 : vector<1x1250xi32> to vector<256x1250xi32>
    %eq3A_116 = arith.cmpi eq, %iota3A, %eq3A_115 : vector<256x1250xi32>
    %convert_element_type3A_117 = arith.extui %eq3A_116 : vector<256x1250xi1> to vector<256x1250xi32>
    %convert_element_type3A_118 = arith.sitofp %convert_element_type3A_117 : vector<256x1250xi32> to vector<256x1250xf32>
    %slice3A_119 = vector.extract_strided_slice %add3A_102 {offsets = [0, 16], sizes = [1250, 16], strides = [1, 1]} : vector<1250x128xf32> to vector<1250x16xf32>
    %dot_general3A_120 = arith.constant dense<0.000000e+00> : vector<256x16xf32>
    %dot_general3A_121 = tpu.matmul %convert_element_type3A_118, %slice3A_119, %dot_general3A_120 {dimension_numbers = #tpu.dot_dimension_numbers<[1], [0], [0], [1], [0, 0, 1, 1], [], []>, transpose_lhs_hint = false} : vector<256x1250xf32>, vector<1250x16xf32>, vector<256x16xf32> -> vector<256x16xf32>
    %add3A_122 = arith.addf %add3A_111, %dot_general3A_121 : vector<256x16xf32>
    %get3A_123 = arith.constant 2 : index
    %get3A_124 = arith.constant 0 : index
    %get3A_125 = vector.load %arg2[%get3A_123, %get3A_124] : memref<8x1250xi32, #tpu.memory_space<vmem>>, vector<1x1250xi32>
    %eq3A_126 = vector.broadcast %get3A_125 : vector<1x1250xi32> to vector<256x1250xi32>
    %eq3A_127 = arith.cmpi eq, %iota3A, %eq3A_126 : vector<256x1250xi32>
    %convert_element_type3A_128 = arith.extui %eq3A_127 : vector<256x1250xi1> to vector<256x1250xi32>
    %convert_element_type3A_129 = arith.sitofp %convert_element_type3A_128 : vector<256x1250xi32> to vector<256x1250xf32>
    %slice3A_130 = vector.extract_strided_slice %add3A_102 {offsets = [0, 32], sizes = [1250, 16], strides = [1, 1]} : vector<1250x128xf32> to vector<1250x16xf32>
    %dot_general3A_131 = arith.constant dense<0.000000e+00> : vector<256x16xf32>
    %dot_general3A_132 = tpu.matmul %convert_element_type3A_129, %slice3A_130, %dot_general3A_131 {dimension_numbers = #tpu.dot_dimension_numbers<[1], [0], [0], [1], [0, 0, 1, 1], [], []>, transpose_lhs_hint = false} : vector<256x1250xf32>, vector<1250x16xf32>, vector<256x16xf32> -> vector<256x16xf32>
    %add3A_133 = arith.addf %add3A_122, %dot_general3A_132 : vector<256x16xf32>
    %get3A_134 = arith.constant 3 : index
    %get3A_135 = arith.constant 0 : index
    %get3A_136 = vector.load %arg2[%get3A_134, %get3A_135] : memref<8x1250xi32, #tpu.memory_space<vmem>>, vector<1x1250xi32>
    %eq3A_137 = vector.broadcast %get3A_136 : vector<1x1250xi32> to vector<256x1250xi32>
    %eq3A_138 = arith.cmpi eq, %iota3A, %eq3A_137 : vector<256x1250xi32>
    %convert_element_type3A_139 = arith.extui %eq3A_138 : vector<256x1250xi1> to vector<256x1250xi32>
    %convert_element_type3A_140 = arith.sitofp %convert_element_type3A_139 : vector<256x1250xi32> to vector<256x1250xf32>
    %slice3A_141 = vector.extract_strided_slice %add3A_102 {offsets = [0, 48], sizes = [1250, 16], strides = [1, 1]} : vector<1250x128xf32> to vector<1250x16xf32>
    %dot_general3A_142 = arith.constant dense<0.000000e+00> : vector<256x16xf32>
    %dot_general3A_143 = tpu.matmul %convert_element_type3A_140, %slice3A_141, %dot_general3A_142 {dimension_numbers = #tpu.dot_dimension_numbers<[1], [0], [0], [1], [0, 0, 1, 1], [], []>, transpose_lhs_hint = false} : vector<256x1250xf32>, vector<1250x16xf32>, vector<256x16xf32> -> vector<256x16xf32>
    %add3A_144 = arith.addf %add3A_133, %dot_general3A_143 : vector<256x16xf32>
    %get3A_145 = arith.constant 4 : index
    %get3A_146 = arith.constant 0 : index
    %get3A_147 = vector.load %arg2[%get3A_145, %get3A_146] : memref<8x1250xi32, #tpu.memory_space<vmem>>, vector<1x1250xi32>
    %eq3A_148 = vector.broadcast %get3A_147 : vector<1x1250xi32> to vector<256x1250xi32>
    %eq3A_149 = arith.cmpi eq, %iota3A, %eq3A_148 : vector<256x1250xi32>
    %convert_element_type3A_150 = arith.extui %eq3A_149 : vector<256x1250xi1> to vector<256x1250xi32>
    %convert_element_type3A_151 = arith.sitofp %convert_element_type3A_150 : vector<256x1250xi32> to vector<256x1250xf32>
    %slice3A_152 = vector.extract_strided_slice %add3A_102 {offsets = [0, 64], sizes = [1250, 16], strides = [1, 1]} : vector<1250x128xf32> to vector<1250x16xf32>
    %dot_general3A_153 = arith.constant dense<0.000000e+00> : vector<256x16xf32>
    %dot_general3A_154 = tpu.matmul %convert_element_type3A_151, %slice3A_152, %dot_general3A_153 {dimension_numbers = #tpu.dot_dimension_numbers<[1], [0], [0], [1], [0, 0, 1, 1], [], []>, transpose_lhs_hint = false} : vector<256x1250xf32>, vector<1250x16xf32>, vector<256x16xf32> -> vector<256x16xf32>
    %add3A_155 = arith.addf %add3A_144, %dot_general3A_154 : vector<256x16xf32>
    %get3A_156 = arith.constant 5 : index
    %get3A_157 = arith.constant 0 : index
    %get3A_158 = vector.load %arg2[%get3A_156, %get3A_157] : memref<8x1250xi32, #tpu.memory_space<vmem>>, vector<1x1250xi32>
    %eq3A_159 = vector.broadcast %get3A_158 : vector<1x1250xi32> to vector<256x1250xi32>
    %eq3A_160 = arith.cmpi eq, %iota3A, %eq3A_159 : vector<256x1250xi32>
    %convert_element_type3A_161 = arith.extui %eq3A_160 : vector<256x1250xi1> to vector<256x1250xi32>
    %convert_element_type3A_162 = arith.sitofp %convert_element_type3A_161 : vector<256x1250xi32> to vector<256x1250xf32>
    %slice3A_163 = vector.extract_strided_slice %add3A_102 {offsets = [0, 80], sizes = [1250, 16], strides = [1, 1]} : vector<1250x128xf32> to vector<1250x16xf32>
    %dot_general3A_164 = arith.constant dense<0.000000e+00> : vector<256x16xf32>
    %dot_general3A_165 = tpu.matmul %convert_element_type3A_162, %slice3A_163, %dot_general3A_164 {dimension_numbers = #tpu.dot_dimension_numbers<[1], [0], [0], [1], [0, 0, 1, 1], [], []>, transpose_lhs_hint = false} : vector<256x1250xf32>, vector<1250x16xf32>, vector<256x16xf32> -> vector<256x16xf32>
    %add3A_166 = arith.addf %add3A_155, %dot_general3A_165 : vector<256x16xf32>
    %get3A_167 = arith.constant 6 : index
    %get3A_168 = arith.constant 0 : index
    %get3A_169 = vector.load %arg2[%get3A_167, %get3A_168] : memref<8x1250xi32, #tpu.memory_space<vmem>>, vector<1x1250xi32>
    %eq3A_170 = vector.broadcast %get3A_169 : vector<1x1250xi32> to vector<256x1250xi32>
    %eq3A_171 = arith.cmpi eq, %iota3A, %eq3A_170 : vector<256x1250xi32>
    %convert_element_type3A_172 = arith.extui %eq3A_171 : vector<256x1250xi1> to vector<256x1250xi32>
    %convert_element_type3A_173 = arith.sitofp %convert_element_type3A_172 : vector<256x1250xi32> to vector<256x1250xf32>
    %slice3A_174 = vector.extract_strided_slice %add3A_102 {offsets = [0, 96], sizes = [1250, 16], strides = [1, 1]} : vector<1250x128xf32> to vector<1250x16xf32>
    %dot_general3A_175 = arith.constant dense<0.000000e+00> : vector<256x16xf32>
    %dot_general3A_176 = tpu.matmul %convert_element_type3A_173, %slice3A_174, %dot_general3A_175 {dimension_numbers = #tpu.dot_dimension_numbers<[1], [0], [0], [1], [0, 0, 1, 1], [], []>, transpose_lhs_hint = false} : vector<256x1250xf32>, vector<1250x16xf32>, vector<256x16xf32> -> vector<256x16xf32>
    %add3A_177 = arith.addf %add3A_166, %dot_general3A_176 : vector<256x16xf32>
    %get3A_178 = arith.constant 7 : index
    %get3A_179 = arith.constant 0 : index
    %get3A_180 = vector.load %arg2[%get3A_178, %get3A_179] : memref<8x1250xi32, #tpu.memory_space<vmem>>, vector<1x1250xi32>
    %eq3A_181 = vector.broadcast %get3A_180 : vector<1x1250xi32> to vector<256x1250xi32>
    %eq3A_182 = arith.cmpi eq, %iota3A, %eq3A_181 : vector<256x1250xi32>
    %convert_element_type3A_183 = arith.extui %eq3A_182 : vector<256x1250xi1> to vector<256x1250xi32>
    %convert_element_type3A_184 = arith.sitofp %convert_element_type3A_183 : vector<256x1250xi32> to vector<256x1250xf32>
    %slice3A_185 = vector.extract_strided_slice %add3A_102 {offsets = [0, 112], sizes = [1250, 16], strides = [1, 1]} : vector<1250x128xf32> to vector<1250x16xf32>
    %dot_general3A_186 = arith.constant dense<0.000000e+00> : vector<256x16xf32>
    %dot_general3A_187 = tpu.matmul %convert_element_type3A_184, %slice3A_185, %dot_general3A_186 {dimension_numbers = #tpu.dot_dimension_numbers<[1], [0], [0], [1], [0, 0, 1, 1], [], []>, transpose_lhs_hint = false} : vector<256x1250xf32>, vector<1250x16xf32>, vector<256x16xf32> -> vector<256x16xf32>
    %add3A_188 = arith.addf %add3A_177, %dot_general3A_187 : vector<256x16xf32>
    %get3A_189 = arith.constant 0 : index
    %get3A_190 = arith.constant 0 : index
    %get3A_191 = vector.load %arg17[%get3A_189, %get3A_190] : memref<16x16xf32, #tpu.memory_space<vmem>>, vector<16x16xf32>
    %dot_general3A_192 = arith.constant dense<0.000000e+00> : vector<256x16xf32>
    %dot_general3A_193 = tpu.matmul %add3A_188, %get3A_191, %dot_general3A_192 {dimension_numbers = #tpu.dot_dimension_numbers<[1], [0], [0], [1], [0, 0, 1, 1], [], []>, transpose_lhs_hint = false} : vector<256x16xf32>, vector<16x16xf32>, vector<256x16xf32> -> vector<256x16xf32>
    %get3A_194 = arith.constant 0 : index
    %get3A_195 = arith.constant 0 : index
    %get3A_196 = vector.load %arg18[%get3A_194, %get3A_195] : memref<1x16xf32, #tpu.memory_space<vmem>>, vector<1x16xf32>
    %add3A_197 = vector.broadcast %get3A_196 : vector<1x16xf32> to vector<256x16xf32>
    %add3A_198 = arith.addf %dot_general3A_193, %add3A_197 : vector<256x16xf32>
    %max3A_199 = arith.constant 0.000000e+00 : f32
    %max3A_200 = vector.broadcast %max3A_199 : f32 to vector<256x16xf32>
    %max3A_201 = arith.maximumf %add3A_198, %max3A_200 : vector<256x16xf32>
    %get3A_202 = arith.constant 0 : index
    %get3A_203 = arith.constant 0 : index
    %get3A_204 = vector.load %arg19[%get3A_202, %get3A_203] : memref<16x16xf32, #tpu.memory_space<vmem>>, vector<16x16xf32>
    %dot_general3A_205 = arith.constant dense<0.000000e+00> : vector<256x16xf32>
    %dot_general3A_206 = tpu.matmul %max3A_201, %get3A_204, %dot_general3A_205 {dimension_numbers = #tpu.dot_dimension_numbers<[1], [0], [0], [1], [0, 0, 1, 1], [], []>, transpose_lhs_hint = false} : vector<256x16xf32>, vector<16x16xf32>, vector<256x16xf32> -> vector<256x16xf32>
    %get3A_207 = arith.constant 0 : index
    %get3A_208 = arith.constant 0 : index
    %get3A_209 = vector.load %arg20[%get3A_207, %get3A_208] : memref<1x16xf32, #tpu.memory_space<vmem>>, vector<1x16xf32>
    %add3A_210 = vector.broadcast %get3A_209 : vector<1x16xf32> to vector<256x16xf32>
    %add3A_211 = arith.addf %dot_general3A_206, %add3A_210 : vector<256x16xf32>
    %max3A_212 = arith.constant 0.000000e+00 : f32
    %max3A_213 = vector.broadcast %max3A_212 : f32 to vector<256x16xf32>
    %max3A_214 = arith.maximumf %add3A_211, %max3A_213 : vector<256x16xf32>
    %get3A_215 = arith.constant 0 : index
    %get3A_216 = arith.constant 0 : index
    %get3A_217 = vector.load %arg21[%get3A_215, %get3A_216] : memref<16x1xf32, #tpu.memory_space<vmem>>, vector<16x1xf32>
    %dot_general3A_218 = arith.constant dense<0.000000e+00> : vector<256x1xf32>
    %dot_general3A_219 = tpu.matmul %max3A_214, %get3A_217, %dot_general3A_218 {dimension_numbers = #tpu.dot_dimension_numbers<[1], [0], [0], [1], [0, 0, 1, 1], [], []>, transpose_lhs_hint = false} : vector<256x16xf32>, vector<16x1xf32>, vector<256x1xf32> -> vector<256x1xf32>
    %get3A_220 = arith.constant 0 : index
    %get3A_221 = arith.constant 0 : index
    %get3A_222 = vector.load %arg22[%get3A_220, %get3A_221] : memref<1x1xf32, #tpu.memory_space<vmem>>, vector<1x1xf32>
    %add3A_223 = vector.broadcast %get3A_222 : vector<1x1xf32> to vector<256x1xf32>
    %add3A_224 = arith.addf %dot_general3A_219, %add3A_223 : vector<256x1xf32>
    %get3A_225 = arith.constant 0 : index
    %get3A_226 = arith.constant 0 : index
    %get3A_227 = vector.load %arg23[%get3A_225, %get3A_226] : memref<16x16xf32, #tpu.memory_space<vmem>>, vector<16x16xf32>
    %dot_general3A_228 = arith.constant dense<0.000000e+00> : vector<256x16xf32>
    %dot_general3A_229 = tpu.matmul %add3A_188, %get3A_227, %dot_general3A_228 {dimension_numbers = #tpu.dot_dimension_numbers<[1], [0], [0], [1], [0, 0, 1, 1], [], []>, transpose_lhs_hint = false} : vector<256x16xf32>, vector<16x16xf32>, vector<256x16xf32> -> vector<256x16xf32>
    %get3A_230 = arith.constant 0 : index
    %get3A_231 = arith.constant 0 : index
    %get3A_232 = vector.load %arg24[%get3A_230, %get3A_231] : memref<1x16xf32, #tpu.memory_space<vmem>>, vector<1x16xf32>
    %add3A_233 = vector.broadcast %get3A_232 : vector<1x16xf32> to vector<256x16xf32>
    %add3A_234 = arith.addf %dot_general3A_229, %add3A_233 : vector<256x16xf32>
    %max3A_235 = arith.constant 0.000000e+00 : f32
    %max3A_236 = vector.broadcast %max3A_235 : f32 to vector<256x16xf32>
    %max3A_237 = arith.maximumf %add3A_234, %max3A_236 : vector<256x16xf32>
    %get3A_238 = arith.constant 0 : index
    %get3A_239 = arith.constant 0 : index
    %get3A_240 = vector.load %arg25[%get3A_238, %get3A_239] : memref<16x16xf32, #tpu.memory_space<vmem>>, vector<16x16xf32>
    %dot_general3A_241 = arith.constant dense<0.000000e+00> : vector<256x16xf32>
    %dot_general3A_242 = tpu.matmul %max3A_237, %get3A_240, %dot_general3A_241 {dimension_numbers = #tpu.dot_dimension_numbers<[1], [0], [0], [1], [0, 0, 1, 1], [], []>, transpose_lhs_hint = false} : vector<256x16xf32>, vector<16x16xf32>, vector<256x16xf32> -> vector<256x16xf32>
    %get3A_243 = arith.constant 0 : index
    %get3A_244 = arith.constant 0 : index
    %get3A_245 = vector.load %arg26[%get3A_243, %get3A_244] : memref<1x16xf32, #tpu.memory_space<vmem>>, vector<1x16xf32>
    %add3A_246 = vector.broadcast %get3A_245 : vector<1x16xf32> to vector<256x16xf32>
    %add3A_247 = arith.addf %dot_general3A_242, %add3A_246 : vector<256x16xf32>
    %max3A_248 = arith.constant 0.000000e+00 : f32
    %max3A_249 = vector.broadcast %max3A_248 : f32 to vector<256x16xf32>
    %max3A_250 = arith.maximumf %add3A_247, %max3A_249 : vector<256x16xf32>
    %get3A_251 = arith.constant 0 : index
    %get3A_252 = arith.constant 0 : index
    %get3A_253 = vector.load %arg27[%get3A_251, %get3A_252] : memref<16x1xf32, #tpu.memory_space<vmem>>, vector<16x1xf32>
    %dot_general3A_254 = arith.constant dense<0.000000e+00> : vector<256x1xf32>
    %dot_general3A_255 = tpu.matmul %max3A_250, %get3A_253, %dot_general3A_254 {dimension_numbers = #tpu.dot_dimension_numbers<[1], [0], [0], [1], [0, 0, 1, 1], [], []>, transpose_lhs_hint = false} : vector<256x16xf32>, vector<16x1xf32>, vector<256x1xf32> -> vector<256x1xf32>
    %get3A_256 = arith.constant 0 : index
    %get3A_257 = arith.constant 0 : index
    %get3A_258 = vector.load %arg28[%get3A_256, %get3A_257] : memref<1x1xf32, #tpu.memory_space<vmem>>, vector<1x1xf32>
    %add3A_259 = vector.broadcast %get3A_258 : vector<1x1xf32> to vector<256x1xf32>
    %add3A_260 = arith.addf %dot_general3A_255, %add3A_259 : vector<256x1xf32>
    %concatenate3A = tpu.concatenate %add3A_224, %add3A_260 in 1 : vector<256x1xf32>, vector<256x1xf32> -> vector<256x2xf32>
    %swap3A = arith.constant 0 : index
    %swap3A_261 = arith.constant 0 : index
    %swap3A_262 = vector.load %arg29[%swap3A, %swap3A_261] : memref<256x2xf32, #tpu.memory_space<vmem>>, vector<256x2xf32>
    tpu.vector_store %arg29[%swap3A, %swap3A_261], %concatenate3A {strides = array<i32>} : memref<256x2xf32, #tpu.memory_space<vmem>>, vector<256x2xf32>,
    return
  }
}

</mosaic_0001>

<sc_bundles>
// kernel: kernel.10.cloned.1.call-start
scs
__scs_entry_jumppad:
0x0: {  	(pc) =	sbr.rel $0x88, $3  }
0x1: {  	(tag) =	ssettag $0x0;
	lr =	simm.s32 $0x1  }
0x2: {  	[smem:$0x3F85] =	sst lr;
	_ =	strace $0xD0000000  }
0x3: {  	_ = 	snop  }
0x4: {  	_ = 	snop  }
0x5: {  	_ = 	snop  }
0x6: {  	_ = 	snop  }
0x7: {  	_ = 	snop  }
__scs_overlays_trampoline_lowered:
0x8: {  	[smem:$0x3F94] =	sst s0  }
0x9: {  	[smem:$0x3F95] =	sst s1  }
0xa: {  	[smem:$0x3F96] =	sst s2  }
0xb: {  	[smem:$0x3F97] =	sst s3  }
0xc: {  	[smem:$0x3F98] =	sst s4  }
0xd: {  	[smem:$0x3F99] =	sst s5  }
0xe: {  	[smem:$0x3F9A] =	sst s6  }
0xf: {  	[smem:$0x3F9B] =	sst s7  }
0x10: {  	[smem:$0x3F9C] =	sst s8  }
0x11: {  	[smem:$0x3F9D] =	sst s9;
	s0 =	simm.s32 @!p0 $0x0  }
0x12: {  	s1 =	sld [smem:$0x3F83];
	s0 =	simm.s32 @p0 $0x1  }
0x13: {  	[smem:$0x3F9E] =	sst s0;
	s0 =	simm.s32 @!p1 $0x0  }
0x14: {  	s2 =	sld [smem:$0x3F82];
	s0 =	simm.s32 @p1 $0x1  }
0x15: {  	[smem:$0x3F9F] =	sst s0;
	s0 =	simm.s32 @!p2 $0x0  }
0x16: {  	s3 =	sld [smem:$0x3FDB];
	s0 =	simm.s32 @p2 $0x1  }
0x17: {  	s4 =	simm.s32 $0x1BF5;
	[smem:$0x3FA1] =	sst s0  }
0x18: {  	s0 =	sld [smem:$0x3F84];
	_ =	swait.ge [sflag:s4], $0x0  }
0x19: {  	s7 =	sld [smem:$0x3F85]  }
0x1a: {  	s8 =	sadd.s32 $0xFFFFE003, lr  }
0x1b: {  	s9 =	sadd.s32 $0xFFFFFEF7, lr;
	s5 =	simm.s32 $0xFFFFFFFF;
	p2 =	slt.u32 s8, $0xFFFFF086  }
0x1c: {  	p1 =	slt.u32 s9, $0xF7A;
	s5 =	simm.s32 @!p2 $0x0  }
0x1d: {  	s5 =	simm.s32 @p1 $0x1;
	p0 =	seq.s32 s7, s2  }
0x1e: {  	s7 =	smul.u32 @!p0 $0xF7A, s2;
	p2 =	seq.s32 @!p0 s5, $0x0  }
0x1f: {  	s9 =	smul.u32 $0xF7A, s1;
	s8 =	simm.s32 @!p0 $0x1BF5;
	p2 =	por !p2, p0  }
0x20: {  	[sflag:s8] =	ssyncset.s32 @!p0 $0xFFFFF086;
	s6 =	sadd.s32 @!p0 s3, s7;
	s7 =	simm.s32 @!p0 $0x108  }
0x21: {  	s3 =	sadd.s32 s3, s9;
	s6 =	sadd.s32 @!p0 $0x88, s6;
	s7 =	simm.s32 @p2 $0x1082  }
0x22: {  	[simem:s7], [sflag:s8] =	dma.local @!p0 [hbm:s6], $0xF7A  }
0x23: {  	s9 =	sor.u32 $0xD0000000, s2;
	s6 =	simm.s32 $0x108;
	_ =	swait.ge @!p0 [sflag:s8], $0x0  }
0x24: {  	s3 =	sadd.s32 $0x88, s3;
	s6 =	simm.s32 @!p1 $0x1082;
	[sflag:s4] =	ssyncset.s32 $0xFFFFF086  }
0x25: {  	[simem:s6], [sflag:s4] =	dma.local [hbm:s3], $0xF7A  }
0x26: {  	[smem:$0x3F85] =	sst s1;
	(tag) =	ssettag s2;
	_ =	strace s9  }
0x27: {  	s1 =	sld [smem:$0x3F95]  }
0x28: {  	s2 =	sld [smem:$0x3F96]  }
0x29: {  	s4 =	sld [smem:$0x3F98]  }
0x2a: {  	p0 =	seq.s32 s5, $0x0;
	s5 =	sld [smem:$0x3F99]  }
0x2b: {  	s6 =	sld [smem:$0x3F9A]  }
0x2c: {  	s7 =	sld [smem:$0x3F9B]  }
0x2d: {  	s3 =	simm.s32 $0x108;
	s8 =	sld [smem:$0x3F9C]  }
0x2e: {  	s3 =	simm.s32 @!p0 $0x1082;
	s9 =	sld [smem:$0x3F9D]  }
0x2f: {  	lr =	sadd.s32 s0, s3;
	s0 =	sld [smem:$0x3F94]  }
0x30: {  	s3 =	sld [smem:$0x3F97]  }
0x31: {  	[smem:$0x3FA0] =	sst s10  }
0x32: {  	s10 =	sld [smem:$0x3F9E];
	_ =	sdelay $0x3  }
0x33: {  	p0 =	seq.s32 s10, $0x1;
	s10 =	sld [smem:$0x3FA0];
	_ =	sdelay $0x3  }
0x34: {  	[smem:$0x3FA0] =	sst s10  }
0x35: {  	s10 =	sld [smem:$0x3F9F];
	_ =	sdelay $0x3  }
0x36: {  	p1 =	seq.s32 s10, $0x1;
	s10 =	sld [smem:$0x3FA0];
	_ =	sdelay $0x3  }
0x37: {  	[smem:$0x3FA0] =	sst s10  }
0x38: {  	s10 =	sld [smem:$0x3FA1]  }
0x39: {  	_ = 	snop;
	(pc) =	sbr.ind lr, $3  }
0x3a: {  	_ = 	snop  }
0x3b: {  	_ = 	snop  }
0x3c: {  	p2 =	seq.s32 s10, $0x1;
	s10 =	sld [smem:$0x3FA0]  }
0x3d: {  	_ =	shalt  }
0x3e: {  	_ =	shalt  }
0x3f: {  	_ =	shalt  }
0x40: {  	_ =	shalt  }
0x41: {  	_ =	shalt  }
0x42: {  	_ =	shalt  }
0x43: {  	_ =	shalt  }
0x44: {  	_ =	shalt  }
0x45: {  	_ =	shalt  }
0x46: {  	_ =	shalt  }
0x47: {  	_ =	shalt  }
0x48: {  	_ =	shalt  }
0x49: {  	_ =	shalt  }
0x4a: {  	_ =	shalt  }
0x4b: {  	_ =	shalt  }
0x4c: {  	_ =	shalt  }
0x4d: {  	_ =	shalt  }
0x4e: {  	_ =	shalt  }
0x4f: {  	_ =	shalt  }
0x50: {  	_ =	shalt  }
0x51: {  	_ =	shalt  }
0x52: {  	_ =	shalt  }
0x53: {  	_ =	shalt  }
0x54: {  	_ =	shalt  }
0x55: {  	_ =	shalt  }
0x56: {  	_ =	shalt  }
0x57: {  	_ =	shalt  }
0x58: {  	_ =	shalt  }
0x59: {  	_ =	shalt  }
0x5a: {  	_ =	shalt  }
0x5b: {  	_ =	shalt  }
0x5c: {  	_ =	shalt  }
0x5d: {  	_ =	shalt  }
0x5e: {  	_ =	shalt  }
0x5f: {  	_ =	shalt  }
0x60: {  	_ =	shalt  }
0x61: {  	_ =	shalt  }
0x62: {  	_ =	shalt  }
0x63: {  	_ =	shalt  }
0x64: {  	_ =	shalt  }
0x65: {  	_ =	shalt  }
0x66: {  	_ =	shalt  }
0x67: {  	_ =	shalt  }
0x68: {  	_ =	shalt  }
0x69: {  	_ =	shalt  }
0x6a: {  	_ =	shalt  }
0x6b: {  	_ =	shalt  }
0x6c: {  	_ =	shalt  }
0x6d: {  	_ =	shalt  }
0x6e: {  	_ =	shalt  }
0x6f: {  	_ =	shalt  }
0x70: {  	_ =	shalt  }
0x71: {  	_ =	shalt  }
0x72: {  	_ =	shalt  }
0x73: {  	_ =	shalt  }
0x74: {  	_ =	shalt  }
0x75: {  	_ =	shalt  }
0x76: {  	_ =	shalt  }
0x77: {  	_ =	shalt  }
0x78: {  	_ =	shalt  }
0x79: {  	_ =	shalt  }
0x7a: {  	_ =	shalt  }
0x7b: {  	_ =	shalt  }
0x7c: {  	_ =	shalt  }
0x7d: {  	_ =	shalt  }
0x7e: {  	_ =	shalt  }
0x7f: {  	_ =	shalt  }
0x80: {  	_ =	shalt  }
0x81: {  	_ =	shalt  }
0x82: {  	_ =	shalt  }
0x83: {  	_ =	shalt  }
0x84: {  	_ =	shalt  }
0x85: {  	_ =	shalt  }
0x86: {  	_ =	shalt  }
0x87: {  	_ =	shalt  }
.Lfunc_end0:
.L_simem_size_0:
called_computation.1_lowered:
.L_overlay_start_0:
0x88: {  	s2 =	sld [smem:$0x3FD9]  }
0x89: {  	s3 =	sld [smem:$0x3FFE];
	_ =	sdelay $0x1  }
0x8a: {  	s1 =	srdreg.scid  }
0x8b: {  	s0 =	sand.u32 $0x1, s1  }
0x8c: {  	s16 =	sshll.u32 s0, $0xA;
	s2 =	sadd.s32 s3, s2  }
0x8d: {  	s2 =	sadd.s32 s2, s16  }
0x8e: {  	[smem:$0x3FAC] =	sst s2  }
0x8f: {  	_ = 	snop  }
0x90: {  	(tm) =	ssettm $0x1  }
0x91: {  	s17 =	sld [smem:$0x3FFB];
	_ =	sdelay $0x3  }
0x92: {  	_ =	strace s17  }
0x93: {  	s2 =	sld [smem:$0x3FFC];
	_ =	sdelay $0x3  }
0x94: {  	_ =	strace s2  }
0x95: {  	s2 =	sld [smem:$0x3FFD];
	_ =	sdelay $0x3  }
0x96: {  	_ =	strace s2  }
0x97: {  	_ =	strace $0x8FFFFFFF  }
0x98: {  	s18 =	sld [smem:$0x3FDB];
	_ =	sdelay $0x1  }
0x99: {  	s19 =	simm.s32 $_scs_section_size  }
0x9a: {  	s4 =	simm.s32 $_size__tile_overlayer_lowered;
	s5 =	simm.s32 $_tile_overlayer_lowered  }
0x9b: {  	s22 =	simm.s32 $0x1BFF;
	s21 =	sshll.u32 s5, $0x1;
	s2 =	sadd.s32 s19, s18  }
0x9c: {  	s6 =	simm.s32 $0x0;
	s20 =	sshll.u32 s4, $0x1;
	s4 =	sadd.s32 s21, s2  }
0x9d: {  	[timem:s6], [sflag:s22] =	dma.local [hbm:s4], s20  }
0x9e: {  	_ =	swait.ge [sflag:s22], s20  }
0x9f: {  	s3 =	ssub.s32 $0x0, s20;
	[sflag:s22] =	ssyncset.done $0x0  }
0xa0: {  	[sflag:s22] =	ssyncadd.s32 s3;
	_ =	sdelay $0x1  }
0xa1: {  	s23 =	simm.s32 $0x1B8B  }
0xa2: {  	_ =	swait.ge [sflag:s23], $0x1  }
0xa3: {  	[sflag:s23] =	ssyncset.done $0x0  }
0xa4: {  	s25 =	simm.s32 $0x1B8E;
	s24 =	sld [smem:$0x3FFE];
	[sflag:s23] =	ssyncadd.s32 $0xFFFFFFFF  }
0xa5: {  	s26 =	simm.s32 $execute0_lowered;
	[smem:$0x3FD2] =	sst s25  }
0xa6: {  	s4 =	sshll.u32 s26, $0x1;
	_ =	strace $0x80000049;
	[dreg:$0x1] =	wrdreg $0xFFFFFFFF  }
0xa7: {  	s28 =	simm.s32 $_size_execute0_lowered;
	s2 =	sadd.s32 s2, s4;
	[dreg:$0x0] =	wrdreg $0x0  }
0xa8: {  	s4 =	sshll.u32 s28, $0x1;
	[dreg:$0x2] =	wrdreg s2  }
0xa9: {  	[dreg:$0x3] =	wrdreg s4  }
0xaa: {  	[dreg:$0x4] =	wrdreg $0xC0  }
0xab: {  	_ =	task [dreg:s6], $0x5FFFF  }
0xac: {  	[dreg:$0x1] =	wrdreg $0xFFFFFFFF  }
0xad: {  	[dreg:$0x0] =	wrdreg $0x60  }
0xae: {  	[dreg:$0x2] =	wrdreg s24  }
0xaf: {  	[dreg:$0x3] =	wrdreg $0x173180  }
0xb0: {  	[dreg:$0x4] =	wrdreg $0x9  }
0xb1: {  	_ =	task.clear_ibuf [dreg:s6], $0x5FFFF;
	_ =	strace $0x90000049  }
0xb2: {  	s29 =	simm.s32 $0x9;
	_ =	strace $0x8000004B  }
0xb3: {  	_ =	swait.ge [sflag:s29], $0x1  }
0xb4: {  	[sflag:s29] =	ssyncadd.s32 $0xFFFFFFFF  }
0xb5: {  	_ =	strace $0x9000004B  }
0xb6: {  	_ =	sfence  }
0xb7: {  	s30 =	sld [smem:$0x0];
	_ =	sdelay $0x2  }
0xb8: {  	s31 =	sshll.u32 s1, $0xD;
	s1 =	sshrl.u32 s1, $0x2  }
0xb9: {  	s3 =	sand.u32 $0x4000, s31;
	s1 =	sadd.s32 s1, s30  }
0xba: {  	s0 =	sor.u32 s3, s0;
	s1 =	sshll.u32 s1, $0x11  }
0xbb: {  	s0 =	sor.u32 s1, s0  }
0xbc: {  	s0 =	sadd.s32 $0x8F2B, s0  }
0xbd: {  	[sflag:s0] =	ssyncadd.remote.s32 $0x1  }
0xbe: {  	_ =	sfence.sel $0xFFFF  }
0xbf: {  	[dreg:$0x0] =	wrdreg $0xFFFFFFFF;
	(pc) =	sbr.abs _section_cstart, $3  }
0xc0: {  	[dreg:$0x1] =	wrdreg $0xFFFFFFFF  }
0xc1: {  	_ =	task.clear_ibuf [dreg:s6], $0x2FFFF;
	_ =	strace $0x9FFFFFFF  }
0xc2: {  	(tm) =	ssettm $0x7FFFFFFF  }
0xc3: {  	_ =	shalt  }
tec
execute0_lowered:
.L_overlay_start_1:
0x0: {  	(tag) =	ssettag $0x1  }
0x1: {  	s11 =	rddreg [dreg:$0x0];
	s0 =	stileid.u32  }
0x2: {  	s2 =	rddreg [dreg:$0x1];
	s12 =	smul.u32 $0x2710, s0  }
0x3: {  	s1 =	rddreg [dreg:$0x2]  }
0x4: {  	s3 =	simm.s32 $0x0;
	s7 =	srdreg.scid;
	s4 =	sshrl.u32 s12, $0x3  }
0x5: {  	s6 =	simm.s32 $0x14C08;
	[smem:$0x7FF] =	sst s3;
	s4 =	sadd.s32 s4, s11  }
0x6: {  	s5 =	simm.s32 $0x1;
	_ =	strace $0x8000004A;
	s4 =	sadd.s32 $0x62400, s4  }
0x7: {  	[tilespmem:s6], [sflag:$0x1] =	stream.linear.gather [hbm4b:s4+s3], $0x2710, $0x38;
	[tilespmem:$0x19A28] =	vst v63  }
0x8: {  	s13 =	sand.u32 $0x1, s7;
	s26 =	sshll.u32 s0, $0x1;
	_ =	swait.ge [sflag:s5], $0x2710  }
0x9: {  	s8 =	sor.u32 s13, s26;
	[sflag:s5] =	ssyncset.done $0x0  }
0xa: {  	s7 =	sadd.s32 s12, s2;
	s9 =	smul.u32 $0x1388, s8;
	[sflag:s5] =	ssyncadd.s32 $0xFFFFD8F0  }
0xb: {  	[spmem:s7] =	stream.linear.scatter [tilespmem:s6], [sflag:$0x1], $0x2710, $0x38;
	[tilespmem:$0x19A28] =	vst v63  }
0xc: {  	_ =	swait.ge [sflag:s5], $0x2710  }
0xd: {  	s9 =	sshrl.u32 s9, $0x3;
	[sflag:s5] =	ssyncset.done $0x0  }
0xe: {  	s9 =	sadd.s32 s11, s9;
	[sflag:s5] =	ssyncadd.s32 $0xFFFFD8F0  }
0xf: {  	s10 =	smul.u32 $0x2710, s8;
	s8 =	sadd.s32 $0xA220, s9;
	[bflag:$0x0] =	sbarrier.arrive $0xFFFF  }
0x10: {  	[tilespmem:s3], [sflag:$0x1] =	stream.linear.gather [hbm4b:s8+s3], $0x1388, $0x38;
	[tilespmem:$0x19A28] =	vst v63  }
0x11: {  	_ =	swait.ge [sflag:s5], $0x1388  }
0x12: {  	s14 =	smul.u32 $0x27100, s13;
	s28 =	sadd.s32 s10, s11;
	[sflag:s5] =	ssyncset.done $0x0  }
0x13: {  	s10 =	simm.s32 $0x1388;
	s9 =	sadd.s32 $0x14200, s28;
	[sflag:s5] =	ssyncadd.s32 $0xFFFFEC78  }
0x14: {  	[tilespmem:s10], [sflag:$0x1] =	stream.linear.gather [hbm4b:s9+s3], $0x13880, $0x38;
	[tilespmem:$0x19A28] =	vst v63  }
0x15: {  	s13 =	ssub.s32 $0x2, s13;
	s12 =	sadd.s32 s12, s14;
	_ =	swait.ge [sflag:s5], $0x13880  }
0x16: {  	s29 =	sshrl.u32 s13, $0x1;
	s12 =	sshrl.u32 s12, $0x3;
	[sflag:s5] =	ssyncset.done $0x0  }
0x17: {  	s11 =	sadd.s32 s12, s11;
	s12 =	ssub.s32 s13, s29;
	[sflag:s5] =	ssyncadd.s32 $0xFFFEC780  }
0x18: {  	[spmem:s2] =	stream.indirect.scatter.add.f32 [tilespmem:s10], [sflag:$0x1], $0x10, s3, s10, $0xb8;
	[tilespmem:$0x19A28] =	vst v63  }
0x19: {  	s30 =	smax.u32 s12, $0x1;
	_ =	swait.ge [sflag:s5], $0x13880  }
0x1a: {  	s31 =	sshll.u32 s0, $0x6;
	p0 =	sne.s32 s30, $0x1;
	[sflag:s5] =	ssyncset.done $0x0  }
.Ltmp0:
0x1b: {  	s13 =	sshrl.u32 s7, $0x3;
	[sflag:s5] =	ssyncadd.s32 $0xFFFEC780;
	(pc) =	sbr.rel @!p0 .LBB2_2-.Ltmp0, $4  }
0x1c: {  	s11 =	sadd.s32 $0x67400, s11;
	s12 =	sor.u32 $0x1C01, s31;
	[bflag:$0x0] =	sbarrier.arrive $0xFFFF  }
0x1d: {  	[hbm:s11], [sflag:s12] =	dma.local [spmem:s13], $0x4E2  }
0x1e: {  	_ =	swait.ge [sflag:s5], $0x4E2  }
0x1f: {  	s14 =	sadd.s32 $0xFFFFFFFF, s30;
	[sflag:s5] =	ssyncset.done $0x0  }
.LBB2_1:
0x20: {  	p0 =	sne.s32 s14, $0x1;
	s14 =	sadd.s32 $0xFFFFFFFF, s14;
	[sflag:s5] =	ssyncadd.s32 $0xFFFFFB1E  }
0x21: {  	[tilespmem:s6], [sflag:$0x1] =	stream.linear.gather [hbm4b:s4+s3], $0x2710, $0x38;
	[tilespmem:$0x19A28] =	vst v63  }
0x22: {  	_ =	swait.ge [sflag:s5], $0x2710  }
0x23: {  	[sflag:s5] =	ssyncset.done $0x0  }
0x24: {  	[sflag:s5] =	ssyncadd.s32 $0xFFFFD8F0  }
0x25: {  	[spmem:s7] =	stream.linear.scatter [tilespmem:s6], [sflag:$0x1], $0x2710, $0x38;
	[tilespmem:$0x19A28] =	vst v63  }
0x26: {  	_ =	swait.ge [sflag:s5], $0x2710  }
0x27: {  	[sflag:s5] =	ssyncset.done $0x0  }
0x28: {  	[sflag:s5] =	ssyncadd.s32 $0xFFFFD8F0  }
0x29: {  	[bflag:$0x0] =	sbarrier.arrive $0xFFFF  }
0x2a: {  	[tilespmem:s3], [sflag:$0x1] =	stream.linear.gather [hbm4b:s8+s3], $0x1388, $0x38;
	[tilespmem:$0x19A28] =	vst v63  }
0x2b: {  	_ =	swait.ge [sflag:s5], $0x1388  }
0x2c: {  	[sflag:s5] =	ssyncset.done $0x0  }
0x2d: {  	[sflag:s5] =	ssyncadd.s32 $0xFFFFEC78  }
0x2e: {  	[tilespmem:s10], [sflag:$0x1] =	stream.linear.gather [hbm4b:s9+s3], $0x13880, $0x38;
	[tilespmem:$0x19A28] =	vst v63  }
0x2f: {  	_ =	swait.ge [sflag:s5], $0x13880  }
0x30: {  	[sflag:s5] =	ssyncset.done $0x0  }
0x31: {  	[sflag:s5] =	ssyncadd.s32 $0xFFFEC780  }
0x32: {  	[spmem:s2] =	stream.indirect.scatter.add.f32 [tilespmem:s10], [sflag:$0x1], $0x10, s3, s10, $0xb8;
	[tilespmem:$0x19A28] =	vst v63  }
0x33: {  	_ =	swait.ge [sflag:s5], $0x13880  }
0x34: {  	[sflag:s5] =	ssyncset.done $0x0  }
.Ltmp1:
0x35: {  	[sflag:s5] =	ssyncadd.s32 $0xFFFEC780;
	(pc) =	sbr.rel @p0 .LBB2_1-.Ltmp1, $4  }
0x36: {  	[bflag:$0x0] =	sbarrier.arrive $0xFFFF  }
0x37: {  	[hbm:s11], [sflag:s12] =	dma.local [spmem:s13], $0x4E2  }
0x38: {  	_ =	swait.ge [sflag:s5], $0x4E2  }
0x39: {  	[sflag:s5] =	ssyncset.done $0x0  }
.LBB2_2:
0x3a: {  	[sflag:s5] =	ssyncadd.s32 $0xFFFFFB1E  }
0x3b: {  	_ =	sfence.sel $0x180000  }
0x3c: {  	[bflag:$0x0] =	sbarrier.arrive $0xFFFF  }
0x3d: {  	p0 =	sne.s32 s0, $0x0;
	_ =	strace $0x9000004A  }
0x3e: {  	s0 =	sadd.s32 @!p0 $0x100000, s1;
	[bflag:$0x2] =	sbarrier.arrive $0xFFFF  }
0x3f: {  	[sflag:s0] =	ssyncadd.tile.s32 @!p0 $0x1;
	_ =	shalt  }
.Lfunc_end2:
_tile_overlayer_lowered:
.L_overlay_start_2:
0x40: {  	(tag) =	ssettag $0x2  }
0x41: {  	s0 =	rddreg [dreg:$0x0];
	s2 =	stileid.u32  }
0x42: {  	s1 =	rddreg [dreg:$0x1];
	p0 =	sne.s32 s2, $0x0  }
0x43: {  	s3 =	rddreg [dreg:$0x2];
	[bflag:$0x3] =	sbarrier.arrive $0xFFFF;
	s2 =	simm.s32 @!p0 $0x1C01  }
0x44: {  	[timem:s3], [sflag:s2] =	dma.local @!p0 [hbm:s0], s1  }
0x45: {  	s0 =	simm.s32 @!p0 $0x1  }
0x46: {  	_ =	swait.ge @!p0 [sflag:s0], s1  }
0x47: {  	s1 =	ssub.s32 @!p0 $0x0, s1;
	[sflag:s0] =	ssyncset.done @!p0 $0x0  }
0x48: {  	[sflag:s0] =	ssyncadd.s32 @!p0 s1  }
0x49: {  	[bflag:$0x3] =	sbarrier.arrive $0xFFFF  }
0x4a: {  	_ =	shalt  }

// kernel: kernel.7.cloned.1.call-start
scs
__scs_entry_jumppad:
0x0: {  	(pc) =	sbr.rel $0x88, $3  }
0x1: {  	(tag) =	ssettag $0x0;
	lr =	simm.s32 $0x1  }
0x2: {  	[smem:$0x3F85] =	sst lr;
	_ =	strace $0xD0000000  }
0x3: {  	_ = 	snop  }
0x4: {  	_ = 	snop  }
0x5: {  	_ = 	snop  }
0x6: {  	_ = 	snop  }
0x7: {  	_ = 	snop  }
__scs_overlays_trampoline_lowered:
0x8: {  	[smem:$0x3F94] =	sst s0  }
0x9: {  	[smem:$0x3F95] =	sst s1  }
0xa: {  	[smem:$0x3F96] =	sst s2  }
0xb: {  	[smem:$0x3F97] =	sst s3  }
0xc: {  	[smem:$0x3F98] =	sst s4  }
0xd: {  	[smem:$0x3F99] =	sst s5  }
0xe: {  	[smem:$0x3F9A] =	sst s6  }
0xf: {  	[smem:$0x3F9B] =	sst s7  }
0x10: {  	[smem:$0x3F9C] =	sst s8  }
0x11: {  	[smem:$0x3F9D] =	sst s9;
	s0 =	simm.s32 @!p0 $0x0  }
0x12: {  	s1 =	sld [smem:$0x3F83];
	s0 =	simm.s32 @p0 $0x1  }
0x13: {  	[smem:$0x3F9E] =	sst s0;
	s0 =	simm.s32 @!p1 $0x0  }
0x14: {  	s2 =	sld [smem:$0x3F82];
	s0 =	simm.s32 @p1 $0x1  }
0x15: {  	[smem:$0x3F9F] =	sst s0;
	s0 =	simm.s32 @!p2 $0x0  }
0x16: {  	s3 =	sld [smem:$0x3FDB];
	s0 =	simm.s32 @p2 $0x1  }
0x17: {  	s4 =	simm.s32 $0x1BF5;
	[smem:$0x3FA1] =	sst s0  }
0x18: {  	s0 =	sld [smem:$0x3F84];
	_ =	swait.ge [sflag:s4], $0x0  }
0x19: {  	s7 =	sld [smem:$0x3F85]  }
0x1a: {  	s8 =	sadd.s32 $0xFFFFE003, lr  }
0x1b: {  	s9 =	sadd.s32 $0xFFFFFEF7, lr;
	s5 =	simm.s32 $0xFFFFFFFF;
	p2 =	slt.u32 s8, $0xFFFFF086  }
0x1c: {  	p1 =	slt.u32 s9, $0xF7A;
	s5 =	simm.s32 @!p2 $0x0  }
0x1d: {  	s5 =	simm.s32 @p1 $0x1;
	p0 =	seq.s32 s7, s2  }
0x1e: {  	s7 =	smul.u32 @!p0 $0xF7A, s2;
	p2 =	seq.s32 @!p0 s5, $0x0  }
0x1f: {  	s9 =	smul.u32 $0xF7A, s1;
	s8 =	simm.s32 @!p0 $0x1BF5;
	p2 =	por !p2, p0  }
0x20: {  	[sflag:s8] =	ssyncset.s32 @!p0 $0xFFFFF086;
	s6 =	sadd.s32 @!p0 s3, s7;
	s7 =	simm.s32 @!p0 $0x108  }
0x21: {  	s3 =	sadd.s32 s3, s9;
	s6 =	sadd.s32 @!p0 $0x88, s6;
	s7 =	simm.s32 @p2 $0x1082  }
0x22: {  	[simem:s7], [sflag:s8] =	dma.local @!p0 [hbm:s6], $0xF7A  }
0x23: {  	s9 =	sor.u32 $0xD0000000, s2;
	s6 =	simm.s32 $0x108;
	_ =	swait.ge @!p0 [sflag:s8], $0x0  }
0x24: {  	s3 =	sadd.s32 $0x88, s3;
	s6 =	simm.s32 @!p1 $0x1082;
	[sflag:s4] =	ssyncset.s32 $0xFFFFF086  }
0x25: {  	[simem:s6], [sflag:s4] =	dma.local [hbm:s3], $0xF7A  }
0x26: {  	[smem:$0x3F85] =	sst s1;
	(tag) =	ssettag s2;
	_ =	strace s9  }
0x27: {  	s1 =	sld [smem:$0x3F95]  }
0x28: {  	s2 =	sld [smem:$0x3F96]  }
0x29: {  	s4 =	sld [smem:$0x3F98]  }
0x2a: {  	p0 =	seq.s32 s5, $0x0;
	s5 =	sld [smem:$0x3F99]  }
0x2b: {  	s6 =	sld [smem:$0x3F9A]  }
0x2c: {  	s7 =	sld [smem:$0x3F9B]  }
0x2d: {  	s3 =	simm.s32 $0x108;
	s8 =	sld [smem:$0x3F9C]  }
0x2e: {  	s3 =	simm.s32 @!p0 $0x1082;
	s9 =	sld [smem:$0x3F9D]  }
0x2f: {  	lr =	sadd.s32 s0, s3;
	s0 =	sld [smem:$0x3F94]  }
0x30: {  	s3 =	sld [smem:$0x3F97]  }
0x31: {  	[smem:$0x3FA0] =	sst s10  }
0x32: {  	s10 =	sld [smem:$0x3F9E];
	_ =	sdelay $0x3  }
0x33: {  	p0 =	seq.s32 s10, $0x1;
	s10 =	sld [smem:$0x3FA0];
	_ =	sdelay $0x3  }
0x34: {  	[smem:$0x3FA0] =	sst s10  }
0x35: {  	s10 =	sld [smem:$0x3F9F];
	_ =	sdelay $0x3  }
0x36: {  	p1 =	seq.s32 s10, $0x1;
	s10 =	sld [smem:$0x3FA0];
	_ =	sdelay $0x3  }
0x37: {  	[smem:$0x3FA0] =	sst s10  }
0x38: {  	s10 =	sld [smem:$0x3FA1]  }
0x39: {  	_ = 	snop;
	(pc) =	sbr.ind lr, $3  }
0x3a: {  	_ = 	snop  }
0x3b: {  	_ = 	snop  }
0x3c: {  	p2 =	seq.s32 s10, $0x1;
	s10 =	sld [smem:$0x3FA0]  }
0x3d: {  	_ =	shalt  }
0x3e: {  	_ =	shalt  }
0x3f: {  	_ =	shalt  }
0x40: {  	_ =	shalt  }
0x41: {  	_ =	shalt  }
0x42: {  	_ =	shalt  }
0x43: {  	_ =	shalt  }
0x44: {  	_ =	shalt  }
0x45: {  	_ =	shalt  }
0x46: {  	_ =	shalt  }
0x47: {  	_ =	shalt  }
0x48: {  	_ =	shalt  }
0x49: {  	_ =	shalt  }
0x4a: {  	_ =	shalt  }
0x4b: {  	_ =	shalt  }
0x4c: {  	_ =	shalt  }
0x4d: {  	_ =	shalt  }
0x4e: {  	_ =	shalt  }
0x4f: {  	_ =	shalt  }
0x50: {  	_ =	shalt  }
0x51: {  	_ =	shalt  }
0x52: {  	_ =	shalt  }
0x53: {  	_ =	shalt  }
0x54: {  	_ =	shalt  }
0x55: {  	_ =	shalt  }
0x56: {  	_ =	shalt  }
0x57: {  	_ =	shalt  }
0x58: {  	_ =	shalt  }
0x59: {  	_ =	shalt  }
0x5a: {  	_ =	shalt  }
0x5b: {  	_ =	shalt  }
0x5c: {  	_ =	shalt  }
0x5d: {  	_ =	shalt  }
0x5e: {  	_ =	shalt  }
0x5f: {  	_ =	shalt  }
0x60: {  	_ =	shalt  }
0x61: {  	_ =	shalt  }
0x62: {  	_ =	shalt  }
0x63: {  	_ =	shalt  }
0x64: {  	_ =	shalt  }
0x65: {  	_ =	shalt  }
0x66: {  	_ =	shalt  }
0x67: {  	_ =	shalt  }
0x68: {  	_ =	shalt  }
0x69: {  	_ =	shalt  }
0x6a: {  	_ =	shalt  }
0x6b: {  	_ =	shalt  }
0x6c: {  	_ =	shalt  }
0x6d: {  	_ =	shalt  }
0x6e: {  	_ =	shalt  }
0x6f: {  	_ =	shalt  }
0x70: {  	_ =	shalt  }
0x71: {  	_ =	shalt  }
0x72: {  	_ =	shalt  }
0x73: {  	_ =	shalt  }
0x74: {  	_ =	shalt  }
0x75: {  	_ =	shalt  }
0x76: {  	_ =	shalt  }
0x77: {  	_ =	shalt  }
0x78: {  	_ =	shalt  }
0x79: {  	_ =	shalt  }
0x7a: {  	_ =	shalt  }
0x7b: {  	_ =	shalt  }
0x7c: {  	_ =	shalt  }
0x7d: {  	_ =	shalt  }
0x7e: {  	_ =	shalt  }
0x7f: {  	_ =	shalt  }
0x80: {  	_ =	shalt  }
0x81: {  	_ =	shalt  }
0x82: {  	_ =	shalt  }
0x83: {  	_ =	shalt  }
0x84: {  	_ =	shalt  }
0x85: {  	_ =	shalt  }
0x86: {  	_ =	shalt  }
0x87: {  	_ =	shalt  }
.Lfunc_end0:
.L_simem_size_0:
called_computation_lowered:
.L_overlay_start_0:
0x88: {  	s2 =	sld [smem:$0x3FD9]  }
0x89: {  	s3 =	sld [smem:$0x3FFE];
	_ =	sdelay $0x1  }
0x8a: {  	s1 =	srdreg.scid  }
0x8b: {  	s0 =	sand.u32 $0x1, s1  }
0x8c: {  	s16 =	sshll.u32 s0, $0xA;
	s2 =	sadd.s32 s3, s2  }
0x8d: {  	s2 =	sadd.s32 s2, s16  }
0x8e: {  	[smem:$0x3FAC] =	sst s2  }
0x8f: {  	_ = 	snop  }
0x90: {  	(tm) =	ssettm $0x1  }
0x91: {  	s17 =	sld [smem:$0x3FFB];
	_ =	sdelay $0x3  }
0x92: {  	_ =	strace s17  }
0x93: {  	s2 =	sld [smem:$0x3FFC];
	_ =	sdelay $0x3  }
0x94: {  	_ =	strace s2  }
0x95: {  	s2 =	sld [smem:$0x3FFD];
	_ =	sdelay $0x3  }
0x96: {  	_ =	strace s2  }
0x97: {  	_ =	strace $0x8FFFFFFF  }
0x98: {  	s18 =	sld [smem:$0x3FDB];
	_ =	sdelay $0x1  }
0x99: {  	s19 =	simm.s32 $_scs_section_size  }
0x9a: {  	s4 =	simm.s32 $_size__tile_overlayer_lowered;
	s5 =	simm.s32 $_tile_overlayer_lowered  }
0x9b: {  	s22 =	simm.s32 $0x1BFF;
	s21 =	sshll.u32 s5, $0x1;
	s2 =	sadd.s32 s19, s18  }
0x9c: {  	s6 =	simm.s32 $0x0;
	s20 =	sshll.u32 s4, $0x1;
	s4 =	sadd.s32 s21, s2  }
0x9d: {  	[timem:s6], [sflag:s22] =	dma.local [hbm:s4], s20  }
0x9e: {  	_ =	swait.ge [sflag:s22], s20  }
0x9f: {  	s3 =	ssub.s32 $0x0, s20;
	[sflag:s22] =	ssyncset.done $0x0  }
0xa0: {  	[sflag:s22] =	ssyncadd.s32 s3;
	_ =	sdelay $0x1  }
0xa1: {  	s23 =	simm.s32 $0x1B8B  }
0xa2: {  	_ =	swait.ge [sflag:s23], $0x1  }
0xa3: {  	[sflag:s23] =	ssyncset.done $0x0  }
0xa4: {  	s25 =	simm.s32 $0x1B8E;
	s24 =	sld [smem:$0x3FFE];
	[sflag:s23] =	ssyncadd.s32 $0xFFFFFFFF  }
0xa5: {  	s26 =	simm.s32 $execute0_lowered;
	[smem:$0x3FD2] =	sst s25  }
0xa6: {  	s4 =	sshll.u32 s26, $0x1;
	_ =	strace $0x80000046;
	[dreg:$0x1] =	wrdreg $0xFFFFFFFF  }
0xa7: {  	s28 =	simm.s32 $_size_execute0_lowered;
	s2 =	sadd.s32 s2, s4;
	[dreg:$0x0] =	wrdreg $0x0  }
0xa8: {  	s4 =	sshll.u32 s28, $0x1;
	[dreg:$0x2] =	wrdreg s2  }
0xa9: {  	[dreg:$0x3] =	wrdreg s4  }
0xaa: {  	[dreg:$0x4] =	wrdreg $0xC0  }
0xab: {  	_ =	task [dreg:s6], $0x5FFFF  }
0xac: {  	[dreg:$0x1] =	wrdreg $0xFFFFFFFF  }
0xad: {  	[dreg:$0x0] =	wrdreg $0x60  }
0xae: {  	[dreg:$0x2] =	wrdreg s24  }
0xaf: {  	[dreg:$0x3] =	wrdreg $0x9  }
0xb0: {  	_ =	task.clear_ibuf [dreg:s6], $0x4FFFF;
	_ =	strace $0x90000046  }
0xb1: {  	s29 =	simm.s32 $0x9;
	_ =	strace $0x80000048  }
0xb2: {  	_ =	swait.ge [sflag:s29], $0x1  }
0xb3: {  	[sflag:s29] =	ssyncadd.s32 $0xFFFFFFFF  }
0xb4: {  	_ =	strace $0x90000048  }
0xb5: {  	_ =	sfence  }
0xb6: {  	s30 =	sld [smem:$0x0];
	_ =	sdelay $0x2  }
0xb7: {  	s31 =	sshll.u32 s1, $0xD;
	s1 =	sshrl.u32 s1, $0x2  }
0xb8: {  	s3 =	sand.u32 $0x4000, s31;
	s1 =	sadd.s32 s1, s30  }
0xb9: {  	s0 =	sor.u32 s3, s0;
	s1 =	sshll.u32 s1, $0x11  }
0xba: {  	s0 =	sor.u32 s1, s0  }
0xbb: {  	s0 =	sadd.s32 $0x8F2B, s0  }
0xbc: {  	[sflag:s0] =	ssyncadd.remote.s32 $0x1  }
0xbd: {  	_ =	sfence.sel $0xFFFF  }
0xbe: {  	[dreg:$0x0] =	wrdreg $0xFFFFFFFF;
	(pc) =	sbr.abs _section_cstart, $3  }
0xbf: {  	[dreg:$0x1] =	wrdreg $0xFFFFFFFF  }
0xc0: {  	_ =	task.clear_ibuf [dreg:s6], $0x2FFFF;
	_ =	strace $0x9FFFFFFF  }
0xc1: {  	(tm) =	ssettm $0x7FFFFFFF  }
tec
execute0_lowered:
.L_overlay_start_1:
0x0: {  	(tag) =	ssettag $0x1  }
0x1: {  	s1 =	srdreg.scid;
	s0 =	stileid.u32  }
0x2: {  	s6 =	sand.u32 $0x1, s1;
	s30 =	sshll.u32 s0, $0x1  }
0x3: {  	s8 =	rddreg [dreg:$0x0];
	s7 =	sor.u32 s6, s30  }
0x4: {  	s2 =	simm.s32 $0x0;
	s1 =	rddreg [dreg:$0x1];
	s3 =	smul.u32 $0x271, s7  }
0x5: {  	[smem:$0x7FF] =	sst s2;
	s5 =	sadd.s32 $0xF200, s8  }
0x6: {  	_ =	strace $0x80000047;
	s10 =	ssub.s32 $0x2, s6;
	s3 =	sadd.s32 s3, s8  }
0x7: {  	s6 =	simm.s32 $0x1388;
	s4 =	sadd.s32 $0x5400, s3;
	s3 =	simm.s32 $0x2  }
0x8: {  	[tilespmem:s2], [sflag:$0x2] =	stream.linear.gather [hbm4b:s4+s2], $0x1388, $0x38;
	[tilespmem:$0x14C08] =	vst v63  }
0x9: {  	s9 =	smul.u32 $0x2710, s7;
	s11 =	sshrl.u32 s10, $0x1;
	_ =	swait.ge [sflag:s3], $0x1388  }
0xa: {  	s7 =	simm.s32 $0x1;
	s31 =	ssub.s32 s10, s11;
	[sflag:s3] =	ssyncset.done $0x0  }
0xb: {  	s8 =	sadd.s32 s9, s8;
	s9 =	smax.u32 s31, $0x1;
	[sflag:s3] =	ssyncadd.s32 $0xFFFFEC78  }
0xc: {  	[tilespmem:s6], [sflag:$0x1] =	stream.indirect.gather [hbm4b:s5+s6], $0x10, s2, s6, $0xb8;
	[tilespmem:$0x14C08] =	vst v63  }
0xd: {  	p0 =	sne.s32 s9, $0x1;
	_ =	swait.ge [sflag:s7], $0x13880  }
.Ltmp0:
0xe: {  	[sflag:s7] =	ssyncset.done $0x0;
	(pc) =	sbr.rel @!p0 .LBB2_2-.Ltmp0, $4  }
0xf: {  	s8 =	sadd.s32 $0x14200, s8;
	[sflag:s7] =	ssyncadd.s32 $0xFFFEC780  }
0x10: {  	[hbm4b:s8+s2] =	stream.linear.scatter [tilespmem:s6], [sflag:$0x2], $0x13880, $0x38;
	[tilespmem:$0x14C08] =	vst v63  }
0x11: {  	_ =	swait.ge [sflag:s3], $0x13880  }
0x12: {  	s9 =	sadd.s32 $0xFFFFFFFF, s9;
	[sflag:s3] =	ssyncset.done $0x0  }
.LBB2_1:
0x13: {  	p0 =	sne.s32 s9, $0x1;
	s9 =	sadd.s32 $0xFFFFFFFF, s9;
	[sflag:s3] =	ssyncadd.s32 $0xFFFEC780  }
0x14: {  	[tilespmem:s2], [sflag:$0x2] =	stream.linear.gather [hbm4b:s4+s2], $0x1388, $0x38;
	[tilespmem:$0x14C08] =	vst v63  }
0x15: {  	_ =	swait.ge [sflag:s3], $0x1388  }
0x16: {  	[sflag:s3] =	ssyncset.done $0x0  }
0x17: {  	[sflag:s3] =	ssyncadd.s32 $0xFFFFEC78  }
0x18: {  	[tilespmem:s6], [sflag:$0x1] =	stream.indirect.gather [hbm4b:s5+s6], $0x10, s2, s6, $0xb8;
	[tilespmem:$0x14C08] =	vst v63  }
0x19: {  	_ =	swait.ge [sflag:s7], $0x13880  }
.Ltmp1:
0x1a: {  	[sflag:s7] =	ssyncset.done $0x0;
	(pc) =	sbr.rel @p0 .LBB2_1-.Ltmp1, $4  }
0x1b: {  	[sflag:s7] =	ssyncadd.s32 $0xFFFEC780  }
0x1c: {  	[hbm4b:s8+s2] =	stream.linear.scatter [tilespmem:s6], [sflag:$0x2], $0x13880, $0x38;
	[tilespmem:$0x14C08] =	vst v63  }
0x1d: {  	_ =	swait.ge [sflag:s3], $0x13880  }
0x1e: {  	[sflag:s3] =	ssyncset.done $0x0  }
.LBB2_2:
0x1f: {  	[sflag:s3] =	ssyncadd.s32 $0xFFFEC780  }
0x20: {  	_ =	sfence.sel $0x180000  }
0x21: {  	[bflag:$0x0] =	sbarrier.arrive $0xFFFF  }
0x22: {  	p0 =	sne.s32 s0, $0x0;
	_ =	strace $0x90000047  }
0x23: {  	s0 =	sadd.s32 @!p0 $0x100000, s1;
	[bflag:$0x2] =	sbarrier.arrive $0xFFFF  }
0x24: {  	[sflag:s0] =	ssyncadd.tile.s32 @!p0 $0x1;
	_ =	shalt  }
.Lfunc_end2:
_tile_overlayer_lowered:
.L_overlay_start_2:
0x25: {  	(tag) =	ssettag $0x2  }
0x26: {  	s0 =	rddreg [dreg:$0x0];
	s2 =	stileid.u32  }
0x27: {  	s1 =	rddreg [dreg:$0x1];
	p0 =	sne.s32 s2, $0x0  }
0x28: {  	s3 =	rddreg [dreg:$0x2];
	[bflag:$0x3] =	sbarrier.arrive $0xFFFF;
	s2 =	simm.s32 @!p0 $0x1C02  }
0x29: {  	[timem:s3], [sflag:s2] =	dma.local @!p0 [hbm:s0], s1  }
0x2a: {  	s0 =	simm.s32 @!p0 $0x2  }
0x2b: {  	_ =	swait.ge @!p0 [sflag:s0], s1  }
0x2c: {  	s1 =	ssub.s32 @!p0 $0x0, s1;
	[sflag:s0] =	ssyncset.done @!p0 $0x0  }
0x2d: {  	[sflag:s0] =	ssyncadd.s32 @!p0 s1  }
0x2e: {  	[bflag:$0x3] =	sbarrier.arrive $0xFFFF  }
0x2f: {  	_ =	shalt  }

</sc_bundles>
